<compile_context>
chip_gen: v7x
topology: tpu7x:2x2x1
jax: 0.10.2.dev20260603
libtpu: 0.0.44.dev20260713+nightly
codegen_flags: <defaults>
</compile_context>

<pallas_src>
import functools

import jax
import jax.numpy as jnp
from jax import lax
from jax.experimental import pallas as pl
from jax.experimental.pallas import tpu as pltpu
from jax.experimental.pallas import tpu_sc as plsc

NUM_SC = 2
NUM_TILES = 16
NW = NUM_SC * NUM_TILES


def _sc_mesh():
    return plsc.VectorSubcoreMesh(core_axis_name="c", subcore_axis_name="s")


def _make_count_kernel(n, d, ch, k):
    rows_per_tile = n // NUM_TILES
    win = 8

    @functools.partial(
        pl.kernel,
        mesh=_sc_mesh(),
        out_type=jax.ShapeDtypeStruct((NUM_SC, n, d), jnp.float32),
        scratch_types=[
            pltpu.VMEM((ch, k), jnp.int32),
            pltpu.VMEM((k, d), jnp.float32),
            pltpu.VMEM_SHARED((n, d), jnp.float32),
            pltpu.SemaphoreType.DMA,
        ],
    )
    def count_kernel(dst_hbm, zero_hbm, one_hbm, out_hbm, dst_v, ones_v,
                     acc_sh, sem):
        c = lax.axis_index("c")
        s = lax.axis_index("s")
        wid = s * NUM_SC + c
        r0 = s * rows_per_tile
        pltpu.sync_copy(zero_hbm.at[pl.ds(r0, rows_per_tile)],
                        acc_sh.at[pl.ds(r0, rows_per_tile)])
        pltpu.sync_copy(dst_hbm.at[wid], dst_v)
        pltpu.sync_copy(one_hbm, ones_v)
        plsc.subcore_barrier()

        @pl.loop(0, ch)
        def _(j):
            pltpu.sync_copy(ones_v, acc_sh.at[dst_v.at[j]], add=True)

        plsc.subcore_barrier()
        pltpu.sync_copy(acc_sh.at[pl.ds(r0, rows_per_tile)],
                        out_hbm.at[c, pl.ds(r0, rows_per_tile)])

    return count_kernel


def _make_agg_kernel(n, d, ch, k):
    rows_per_tile = n // NUM_TILES

    @functools.partial(
        pl.kernel,
        mesh=_sc_mesh(),
        out_type=jax.ShapeDtypeStruct((NUM_SC, n, d), jnp.float32),
        scratch_types=[
            pltpu.VMEM((ch, k), jnp.int32),
            pltpu.VMEM((k,), jnp.int32),
            pltpu.VMEM((k,), jnp.int32),
            pltpu.VMEM((k, d), jnp.float32),
            pltpu.VMEM((k, d), jnp.float32),
            pltpu.VMEM_SHARED((n, d), jnp.float32),
            pltpu.SemaphoreType.DMA,
            pltpu.SemaphoreType.DMA,
            pltpu.SemaphoreType.DMA,
            pltpu.SemaphoreType.DMA,
        ],
    )
    def agg_kernel(h_hbm, src_hbm, dst_hbm, zero_hbm, out_hbm,
                   src_v, db0, db1, rows0, rows1, acc_sh,
                   sg0, sg1, sd0, sd1):
        c = lax.axis_index("c")
        s = lax.axis_index("s")
        wid = s * NUM_SC + c
        r0 = s * rows_per_tile
        pltpu.sync_copy(zero_hbm.at[pl.ds(r0, rows_per_tile)],
                        acc_sh.at[pl.ds(r0, rows_per_tile)])
        pltpu.sync_copy(src_hbm.at[wid], src_v)
        plsc.subcore_barrier()

        dstb = (db0, db1)
        rows = (rows0, rows1)
        sg = (sg0, sg1)
        sd = (sd0, sd1)

        for b in range(2):
            pltpu.async_copy(dst_hbm.at[wid, b], dstb[b], sd[b])
            pltpu.async_copy(h_hbm.at[src_v.at[b]], rows[b], sg[b])

        @pl.loop(0, ch, step=2)
        def _(j):
            for b in range(2):
                jj = j + b

                @pl.when(jj < ch)
                def _():
                    pltpu.make_async_copy(h_hbm.at[src_v.at[jj]], rows[b],
                                          sg[b]).wait()
                    pltpu.make_async_copy(dst_hbm.at[wid, jj], dstb[b],
                                          sd[b]).wait()
                    pltpu.sync_copy(rows[b], acc_sh.at[dstb[b]], add=True)

                    @pl.when(jj + 2 < ch)
                    def _():
                        pltpu.async_copy(dst_hbm.at[wid, jj + 2], dstb[b],
                                         sd[b])
                        pltpu.async_copy(h_hbm.at[src_v.at[jj + 2]], rows[b],
                                         sg[b])

        plsc.subcore_barrier()
        pltpu.sync_copy(acc_sh.at[pl.ds(r0, rows_per_tile)],
                        out_hbm.at[c, pl.ds(r0, rows_per_tile)])

    return agg_kernel


def _tc_layer_body(p_ref, cp_ref, h_ref, wl_ref, wr_ref, b_ref, g_ref, be_ref,
                   o_ref, *, bn):
    n = h_ref.shape[0]
    cnt = cp_ref[0, :n, 0:1] + cp_ref[1, :n, 0:1]
    mean = (p_ref[0, :n, :] + p_ref[1, :n, :]) / jnp.maximum(cnt, 1.0)
    z = jnp.dot(mean, wl_ref[...], preferred_element_type=jnp.float32)
    z = z + jnp.dot(h_ref[...], wr_ref[...], preferred_element_type=jnp.float32)
    z = z + b_ref[...]
    if bn:
        mu = jnp.mean(z, axis=0, keepdims=True)
        var = jnp.mean((z - mu) ** 2, axis=0, keepdims=True)
        z = (z - mu) * lax.rsqrt(var + 1e-5) * g_ref[...] + be_ref[...]
        z = jnp.maximum(z, 0.0)
    o_ref[...] = z


def _tc_layer(p, cp, h, wl, wr, b, g, be, *, bn):
    n, d = h.shape
    body = functools.partial(_tc_layer_body, bn=bn)
    return pl.pallas_call(
        body,
        out_shape=jax.ShapeDtypeStruct((n, d), jnp.float32),
    )(p, cp, h, wl, wr, b.reshape(1, d), g.reshape(1, d), be.reshape(1, d))


def kernel(x, edge_index, Wl0, Wr0, b0, Wl1, Wr1, b1, Wl2, Wr2, b2,
           g0, be0, g1, be1):
    n, d = x.shape
    e = edge_index.shape[1]

    npad = -(-n // (NUM_TILES * 8)) * (NUM_TILES * 8)

    epw = e // NW
    k = 8
    for cand in range(8, 129, 8):
        if epw % cand == 0:
            k = cand
    ch = epw // k

    src3 = edge_index[0].astype(jnp.int32).reshape(NW, ch, k)
    dst3 = edge_index[1].astype(jnp.int32).reshape(NW, ch, k)
    zeros_nd = jnp.zeros((npad, d), jnp.float32)
    ones_k = jnp.ones((k, d), jnp.float32)

    count_k = _make_count_kernel(npad, d, ch, k)
    agg_k = _make_agg_kernel(npad, d, ch, k)

    cp = count_k(dst3, zeros_nd, ones_k)
    p0 = agg_k(x, src3, dst3, zeros_nd)
    h1 = _tc_layer(p0, cp, x, Wl0, Wr0, b0, g0, be0, bn=True)
    p1 = agg_k(h1, src3, dst3, zeros_nd)
    h2 = _tc_layer(p1, cp, h1, Wl1, Wr1, b1, g1, be1, bn=True)
    p2 = agg_k(h2, src3, dst3, zeros_nd)
    return _tc_layer(p2, cp, h2, Wl2, Wr2, b2, g1, be1, bn=False)

# --- scband reference (transcript-rebuilt; emitter-appended) ---
"""Pipeline reference for scband-sage-7851200217408 (READ-ONLY COPY).

The authoritative reference and input builder live on the scoring server;
editing this copy changes nothing except your own understanding.
"""

import jax, jax.numpy as jnp
import numpy as np

N = 10000
E = 320000
D = 128


def _sage_conv(x, src, dst, Wl, Wr, b):
    # PyG SAGEConv (mean aggr): out = lin_l(mean_{j in N(i)} x_j) + lin_r(x_i)
    msg = jnp.take(x, src, axis=0)
    agg = jax.ops.segment_sum(msg, dst, num_segments=N)
    cnt = jax.ops.segment_sum(jnp.ones((src.shape[0],), x.dtype), dst, num_segments=N)
    mean = agg / jnp.clip(cnt, 1.0)[:, None]
    return mean @ Wl + x @ Wr + b


def _bn(x, gamma, beta, eps=1e-5):
    mu = jnp.mean(x, axis=0)
    var = jnp.var(x, axis=0)
    return (x - mu) / jnp.sqrt(var + eps) * gamma + beta


def setup_inputs(seed: int = 0):
    key = jax.random.key(seed)
    ks = jax.random.split(key, 24)
    inp = {}
    inp["x"] = jax.random.normal(ks[0], (N, D), dtype=jnp.float32)
    inp["edge_index"] = jax.random.randint(ks[1], (2, E), 0, N)
    s = 1.0 / np.sqrt(D)
    for i in range(3):
        inp[f"Wl{i}"] = jax.random.uniform(ks[2 + 3 * i], (D, D), jnp.float32, -s, s)
        inp[f"Wr{i}"] = jax.random.uniform(ks[3 + 3 * i], (D, D), jnp.float32, -s, s)
        inp[f"b{i}"] = jnp.zeros((D,), jnp.float32)
    for i in range(2):
        inp[f"g{i}"] = jnp.ones((D,), jnp.float32)
        inp[f"be{i}"] = jnp.zeros((D,), jnp.float32)
    return inp


def reference(x, edge_index, Wl0, Wr0, b0, Wl1, Wr1, b1, Wl2, Wr2, b2, g0, be0, g1, be1):
    src = edge_index[0]
    dst = edge_index[1]
    h = _sage_conv(x, src, dst, Wl0, Wr0, b0)
    h = _bn(h, g0, be0)
    h = jax.nn.relu(h)
    # dropout is identity in deterministic/eval reference
    h = _sage_conv(h, src, dst, Wl1, Wr1, b1)
    h = _bn(h, g1, be1)
    h = jax.nn.relu(h)
    h = _sage_conv(h, src, dst, Wl2, Wr2, b2)
    return h

if __name__ == "__main__":
    import jax
    _d = setup_inputs()
    print(jax.jit(kernel)(*tuple(_d.values())))

</pallas_src>

<mosaic_0001>
#map = affine_map<(d0, d1) -> (0, 0)>
#map1 = affine_map<(d0, d1) -> (0, 0, 0)>
module attributes {stable_mosaic.version = 14 : i64} {
  func.func @agg_kernel(%arg0: i32, %arg1: i32, %arg2: memref<10000x128xf32, #tpu.memory_space<hbm>>, %arg3: memref<32x125x80xi32, #tpu.memory_space<hbm>>, %arg4: memref<32x125x80xi32, #tpu.memory_space<hbm>>, %arg5: memref<10112x128xf32, #tpu.memory_space<hbm>>, %arg6: memref<2x10112x128xf32, #tpu.memory_space<hbm>>, %arg7: memref<125x80xi32, #tpu.memory_space<vmem>>, %arg8: memref<80xi32, #tpu.memory_space<vmem>>, %arg9: memref<80xi32, #tpu.memory_space<vmem>>, %arg10: memref<80x128xf32, #tpu.memory_space<vmem>>, %arg11: memref<80x128xf32, #tpu.memory_space<vmem>>, %arg12: memref<10112x128xf32, #tpu.memory_space<vmem_shared>>, %arg13: memref<!tpu.dma_semaphore, #tpu.memory_space<semaphore_mem>>, %arg14: memref<!tpu.dma_semaphore, #tpu.memory_space<semaphore_mem>>, %arg15: memref<!tpu.dma_semaphore, #tpu.memory_space<semaphore_mem>>, %arg16: memref<!tpu.dma_semaphore, #tpu.memory_space<semaphore_mem>>) attributes {dimension_semantics = [#tpu.dimension_semantics<core_parallel>, #tpu.dimension_semantics<subcore_parallel>], iteration_bounds = array<i64: 2, 16>, scalar_prefetch = 0 : i64, scratch_operands = 10 : i64, tpu.core_type = #tpu.core_type<sc_vector_subcore>, window_params = [{transform_indices = #map}, {transform_indices = #map1}, {transform_indices = #map1}, {transform_indices = #map}, {transform_indices = #map1}]} {
    %mul3A = arith.constant 2 : i32
    %mul3A_0 = arith.muli %arg1, %mul3A : i32
    %add3A = arith.addi %mul3A_0, %arg0 : i32
    %mul3A_1 = arith.constant 632 : i32
    %mul3A_2 = arith.muli %arg1, %mul3A_1 : i32
    "tpu.region"() ({
      %run_scoped3A = tpu.sem_alloc : memref<!tpu.dma_semaphore, #tpu.memory_space<semaphore_mem>>
      %dma_start3A_35 = arith.constant 0 : i32
      %dma_start3A_36 = tpu.memref_slice %arg12[%mul3A_2, %dma_start3A_35] : memref<10112x128xf32, #tpu.memory_space<vmem_shared>> -> memref<632x128xf32, #tpu.memory_space<vmem_shared>>
      %dma_start3A_37 = arith.constant 0 : i32
      %dma_start3A_38 = tpu.memref_slice %arg5[%mul3A_2, %dma_start3A_37] : memref<10112x128xf32, #tpu.memory_space<hbm>> -> memref<632x128xf32, #tpu.memory_space<hbm>>
      tpu.enqueue_dma source(%dma_start3A_38 : memref<632x128xf32, #tpu.memory_space<hbm>>) target(%dma_start3A_36 : memref<632x128xf32, #tpu.memory_space<vmem_shared>>) target_semaphore(%run_scoped3A : memref<!tpu.dma_semaphore, #tpu.memory_space<semaphore_mem>>)
      %dma_wait3A = arith.constant 0 : i32
      %dma_wait3A_39 = tpu.memref_slice %arg12[%mul3A_2, %dma_wait3A] : memref<10112x128xf32, #tpu.memory_space<vmem_shared>> -> memref<632x128xf32, #tpu.memory_space<vmem_shared>>
      %dma_wait3A_40 = arith.constant 0 : i32
      %dma_wait3A_41 = tpu.memref_slice %arg5[%mul3A_2, %dma_wait3A_40] : memref<10112x128xf32, #tpu.memory_space<hbm>> -> memref<632x128xf32, #tpu.memory_space<hbm>>
      tpu.wait_dma2 semaphore(%run_scoped3A : memref<!tpu.dma_semaphore, #tpu.memory_space<semaphore_mem>>) src(%dma_wait3A_41 : memref<632x128xf32, #tpu.memory_space<hbm>>) dst(%dma_wait3A_39 : memref<632x128xf32, #tpu.memory_space<vmem_shared>>)
      tpu.yield
    }) : () -> ()
    "tpu.region"() ({
      %run_scoped3A = tpu.sem_alloc : memref<!tpu.dma_semaphore, #tpu.memory_space<semaphore_mem>>
      %dma_start3A_35 = arith.constant 0 : i32
      %dma_start3A_36 = arith.constant 0 : i32
      %dma_start3A_37 = tpu.memref_slice %arg3[%add3A, %dma_start3A_35, %dma_start3A_36] : memref<32x125x80xi32, #tpu.memory_space<hbm>> -> memref<1x125x80xi32, #tpu.memory_space<hbm>>
      %dma_start3A_38 = tpu.memref_squeeze %dma_start3A_37 : memref<1x125x80xi32, #tpu.memory_space<hbm>> -> memref<125x80xi32, #tpu.memory_space<hbm>>
      %dma_start3A_39 = arith.constant 0 : i32
      %dma_start3A_40 = arith.constant 0 : i32
      %dma_start3A_41 = tpu.memref_slice %arg3[%add3A, %dma_start3A_39, %dma_start3A_40] : memref<32x125x80xi32, #tpu.memory_space<hbm>> -> memref<1x125x80xi32, #tpu.memory_space<hbm>>
      %dma_start3A_42 = tpu.memref_squeeze %dma_start3A_41 : memref<1x125x80xi32, #tpu.memory_space<hbm>> -> memref<125x80xi32, #tpu.memory_space<hbm>>
      tpu.enqueue_dma source(%dma_start3A_42 : memref<125x80xi32, #tpu.memory_space<hbm>>) target(%arg7 : memref<125x80xi32, #tpu.memory_space<vmem>>) target_semaphore(%run_scoped3A : memref<!tpu.dma_semaphore, #tpu.memory_space<semaphore_mem>>)
      %dma_wait3A = arith.constant 0 : i32
      %dma_wait3A_43 = arith.constant 0 : i32
      %dma_wait3A_44 = tpu.memref_slice %arg3[%add3A, %dma_wait3A, %dma_wait3A_43] : memref<32x125x80xi32, #tpu.memory_space<hbm>> -> memref<1x125x80xi32, #tpu.memory_space<hbm>>
      %dma_wait3A_45 = tpu.memref_squeeze %dma_wait3A_44 : memref<1x125x80xi32, #tpu.memory_space<hbm>> -> memref<125x80xi32, #tpu.memory_space<hbm>>
      %dma_wait3A_46 = arith.constant 0 : i32
      %dma_wait3A_47 = arith.constant 0 : i32
      %dma_wait3A_48 = tpu.memref_slice %arg3[%add3A, %dma_wait3A_46, %dma_wait3A_47] : memref<32x125x80xi32, #tpu.memory_space<hbm>> -> memref<1x125x80xi32, #tpu.memory_space<hbm>>
      %dma_wait3A_49 = tpu.memref_squeeze %dma_wait3A_48 : memref<1x125x80xi32, #tpu.memory_space<hbm>> -> memref<125x80xi32, #tpu.memory_space<hbm>>
      tpu.wait_dma2 semaphore(%run_scoped3A : memref<!tpu.dma_semaphore, #tpu.memory_space<semaphore_mem>>) src(%dma_wait3A_49 : memref<125x80xi32, #tpu.memory_space<hbm>>) dst(%arg7 : memref<125x80xi32, #tpu.memory_space<vmem>>)
      tpu.yield
    }) : () -> ()
    %barrier3A = arith.constant 0 : index
    tpu.barrier barrier_id(%barrier3A)
    %dma_start3A = arith.constant 0 : i32
    %dma_start3A_3 = arith.constant 0 : i32
    %dma_start3A_4 = tpu.memref_slice %arg4[%add3A, %dma_start3A, %dma_start3A_3] : memref<32x125x80xi32, #tpu.memory_space<hbm>> -> memref<1x1x80xi32, #tpu.memory_space<hbm>>
    %dma_start3A_5 = tpu.memref_squeeze %dma_start3A_4 : memref<1x1x80xi32, #tpu.memory_space<hbm>> -> memref<80xi32, #tpu.memory_space<hbm>>
    %dma_start3A_6 = arith.constant 0 : i32
    %dma_start3A_7 = tpu.memref_slice %arg4[%add3A, %dma_start3A, %dma_start3A_6] : memref<32x125x80xi32, #tpu.memory_space<hbm>> -> memref<1x1x80xi32, #tpu.memory_space<hbm>>
    %dma_start3A_8 = tpu.memref_squeeze %dma_start3A_7 : memref<1x1x80xi32, #tpu.memory_space<hbm>> -> memref<80xi32, #tpu.memory_space<hbm>>
    tpu.enqueue_dma source(%dma_start3A_8 : memref<80xi32, #tpu.memory_space<hbm>>) target(%arg8 : memref<80xi32, #tpu.memory_space<vmem>>) target_semaphore(%arg15 : memref<!tpu.dma_semaphore, #tpu.memory_space<semaphore_mem>>)
    %dma_start3A_9 = arith.constant 0 : i32
    %dma_start3A_10 = arith.constant 0 : i32
    %dma_start3A_11 = tpu.memref_slice %arg7[%dma_start3A_9, %dma_start3A_10] : memref<125x80xi32, #tpu.memory_space<vmem>> -> memref<1x80xi32, #tpu.memory_space<vmem>>
    %dma_start3A_12 = tpu.memref_squeeze %dma_start3A_11 : memref<1x80xi32, #tpu.memory_space<vmem>> -> memref<80xi32, #tpu.memory_space<vmem>>
    %dma_start3A_13 = arith.constant 0 : i32
    %dma_start3A_14 = arith.constant 0 : i32
    %dma_start3A_15 = tpu.memref_slice %arg2[%dma_start3A_13, %dma_start3A_14] : memref<10000x128xf32, #tpu.memory_space<hbm>> -> memref<10000x128xf32, #tpu.memory_space<hbm>>
    tpu.enqueue_indirect_dma source(%dma_start3A_15 : memref<10000x128xf32, #tpu.memory_space<hbm>>) target(%arg10 : memref<80x128xf32, #tpu.memory_space<vmem>>) offsets(%dma_start3A_12 : memref<80xi32, #tpu.memory_space<vmem>>) semaphore(%arg13 : memref<!tpu.dma_semaphore, #tpu.memory_space<semaphore_mem>>)
    %dma_start3A_16 = arith.constant 1 : i32
    %dma_start3A_17 = arith.constant 0 : i32
    %dma_start3A_18 = tpu.memref_slice %arg4[%add3A, %dma_start3A_16, %dma_start3A_17] : memref<32x125x80xi32, #tpu.memory_space<hbm>> -> memref<1x1x80xi32, #tpu.memory_space<hbm>>
    %dma_start3A_19 = tpu.memref_squeeze %dma_start3A_18 : memref<1x1x80xi32, #tpu.memory_space<hbm>> -> memref<80xi32, #tpu.memory_space<hbm>>
    %dma_start3A_20 = arith.constant 0 : i32
    %dma_start3A_21 = tpu.memref_slice %arg4[%add3A, %dma_start3A_16, %dma_start3A_20] : memref<32x125x80xi32, #tpu.memory_space<hbm>> -> memref<1x1x80xi32, #tpu.memory_space<hbm>>
    %dma_start3A_22 = tpu.memref_squeeze %dma_start3A_21 : memref<1x1x80xi32, #tpu.memory_space<hbm>> -> memref<80xi32, #tpu.memory_space<hbm>>
    tpu.enqueue_dma source(%dma_start3A_22 : memref<80xi32, #tpu.memory_space<hbm>>) target(%arg9 : memref<80xi32, #tpu.memory_space<vmem>>) target_semaphore(%arg16 : memref<!tpu.dma_semaphore, #tpu.memory_space<semaphore_mem>>)
    %dma_start3A_23 = arith.constant 1 : i32
    %dma_start3A_24 = arith.constant 0 : i32
    %dma_start3A_25 = tpu.memref_slice %arg7[%dma_start3A_23, %dma_start3A_24] : memref<125x80xi32, #tpu.memory_space<vmem>> -> memref<1x80xi32, #tpu.memory_space<vmem>>
    %dma_start3A_26 = tpu.memref_squeeze %dma_start3A_25 : memref<1x80xi32, #tpu.memory_space<vmem>> -> memref<80xi32, #tpu.memory_space<vmem>>
    %dma_start3A_27 = arith.constant 0 : i32
    %dma_start3A_28 = arith.constant 0 : i32
    %dma_start3A_29 = tpu.memref_slice %arg2[%dma_start3A_27, %dma_start3A_28] : memref<10000x128xf32, #tpu.memory_space<hbm>> -> memref<10000x128xf32, #tpu.memory_space<hbm>>
    tpu.enqueue_indirect_dma source(%dma_start3A_29 : memref<10000x128xf32, #tpu.memory_space<hbm>>) target(%arg11 : memref<80x128xf32, #tpu.memory_space<vmem>>) offsets(%dma_start3A_26 : memref<80xi32, #tpu.memory_space<vmem>>) semaphore(%arg14 : memref<!tpu.dma_semaphore, #tpu.memory_space<semaphore_mem>>)
    %scan3A = arith.constant 0 : i32
    %scan3A_30 = arith.constant 63 : i32
    %scan3A_31 = arith.addi %scan3A, %scan3A_30 : i32
    %scan3A_32 = arith.constant 1 : i32
    scf.for %scan3A_35 = %scan3A to %scan3A_31 step %scan3A_32  : i32 {
      %mul3A_36 = arith.constant 2 : i32
      %mul3A_37 = arith.muli %scan3A_35, %mul3A_36 : i32
      %add3A_38 = arith.constant 0 : i32
      %add3A_39 = arith.addi %add3A_38, %mul3A_37 : i32
      %add3A_40 = arith.constant 0 : i32
      %add3A_41 = arith.addi %add3A_39, %add3A_40 : i32
      %lt3A = arith.constant 125 : i32
      %lt3A_42 = arith.cmpi slt, %add3A_41, %lt3A : i32
      %convert_element_type3A = arith.extui %lt3A_42 : i1 to i32
      %cond3A = arith.constant 0 : i32
      %cond3A_43 = arith.cmpi ne, %convert_element_type3A, %cond3A : i32
      scf.if %cond3A_43 {
        %dma_wait3A = arith.constant 0 : i32
        %dma_wait3A_51 = tpu.memref_slice %arg7[%add3A_41, %dma_wait3A] : memref<125x80xi32, #tpu.memory_space<vmem>> -> memref<1x80xi32, #tpu.memory_space<vmem>>
        %dma_wait3A_52 = tpu.memref_squeeze %dma_wait3A_51 : memref<1x80xi32, #tpu.memory_space<vmem>> -> memref<80xi32, #tpu.memory_space<vmem>>
        %dma_wait3A_53 = arith.constant 0 : i32
        %dma_wait3A_54 = arith.constant 0 : i32
        %dma_wait3A_55 = tpu.memref_slice %arg2[%dma_wait3A_53, %dma_wait3A_54] : memref<10000x128xf32, #tpu.memory_space<hbm>> -> memref<10000x128xf32, #tpu.memory_space<hbm>>
        tpu.wait_indirect_dma semaphore(%arg13 : memref<!tpu.dma_semaphore, #tpu.memory_space<semaphore_mem>>) src(%dma_wait3A_55 : memref<10000x128xf32, #tpu.memory_space<hbm>>) dst(%arg10 : memref<80x128xf32, #tpu.memory_space<vmem>>)
        %dma_wait3A_56 = arith.constant 0 : i32
        %dma_wait3A_57 = tpu.memref_slice %arg4[%add3A, %add3A_41, %dma_wait3A_56] : memref<32x125x80xi32, #tpu.memory_space<hbm>> -> memref<1x1x80xi32, #tpu.memory_space<hbm>>
        %dma_wait3A_58 = tpu.memref_squeeze %dma_wait3A_57 : memref<1x1x80xi32, #tpu.memory_space<hbm>> -> memref<80xi32, #tpu.memory_space<hbm>>
        %dma_wait3A_59 = arith.constant 0 : i32
        %dma_wait3A_60 = tpu.memref_slice %arg4[%add3A, %add3A_41, %dma_wait3A_59] : memref<32x125x80xi32, #tpu.memory_space<hbm>> -> memref<1x1x80xi32, #tpu.memory_space<hbm>>
        %dma_wait3A_61 = tpu.memref_squeeze %dma_wait3A_60 : memref<1x1x80xi32, #tpu.memory_space<hbm>> -> memref<80xi32, #tpu.memory_space<hbm>>
        tpu.wait_dma2 semaphore(%arg15 : memref<!tpu.dma_semaphore, #tpu.memory_space<semaphore_mem>>) src(%dma_wait3A_61 : memref<80xi32, #tpu.memory_space<hbm>>) dst(%arg8 : memref<80xi32, #tpu.memory_space<vmem>>)
        "tpu.region"() ({
          %run_scoped3A = tpu.sem_alloc : memref<!tpu.dma_semaphore, #tpu.memory_space<semaphore_mem>>
          %dma_start3A_69 = arith.constant 0 : i32
          %dma_start3A_70 = arith.constant 0 : i32
          %dma_start3A_71 = tpu.memref_slice %arg12[%dma_start3A_69, %dma_start3A_70] : memref<10112x128xf32, #tpu.memory_space<vmem_shared>> -> memref<10112x128xf32, #tpu.memory_space<vmem_shared>>
          tpu.enqueue_indirect_dma source(%arg10 : memref<80x128xf32, #tpu.memory_space<vmem>>) target(%dma_start3A_71 : memref<10112x128xf32, #tpu.memory_space<vmem_shared>>) offsets(%arg8 : memref<80xi32, #tpu.memory_space<vmem>>) semaphore(%run_scoped3A : memref<!tpu.dma_semaphore, #tpu.memory_space<semaphore_mem>>) {add = true}
          %dma_wait3A_72 = arith.constant 0 : i32
          %dma_wait3A_73 = arith.constant 0 : i32
          %dma_wait3A_74 = tpu.memref_slice %arg12[%dma_wait3A_72, %dma_wait3A_73] : memref<10112x128xf32, #tpu.memory_space<vmem_shared>> -> memref<10112x128xf32, #tpu.memory_space<vmem_shared>>
          tpu.wait_indirect_dma semaphore(%run_scoped3A : memref<!tpu.dma_semaphore, #tpu.memory_space<semaphore_mem>>) src(%arg10 : memref<80x128xf32, #tpu.memory_space<vmem>>) dst(%dma_wait3A_74 : memref<10112x128xf32, #tpu.memory_space<vmem_shared>>)
          tpu.yield
        }) : () -> ()
        %add3A_62 = arith.constant 2 : i32
        %add3A_63 = arith.addi %add3A_41, %add3A_62 : i32
        %lt3A_64 = arith.constant 125 : i32
        %lt3A_65 = arith.cmpi slt, %add3A_63, %lt3A_64 : i32
        %convert_element_type3A_66 = arith.extui %lt3A_65 : i1 to i32
        %cond3A_67 = arith.constant 0 : i32
        %cond3A_68 = arith.cmpi ne, %convert_element_type3A_66, %cond3A_67 : i32
        scf.if %cond3A_68 {
          %add3A_69 = arith.constant 2 : i32
          %add3A_70 = arith.addi %add3A_41, %add3A_69 : i32
          %dma_start3A_71 = arith.constant 0 : i32
          %dma_start3A_72 = tpu.memref_slice %arg4[%add3A, %add3A_70, %dma_start3A_71] : memref<32x125x80xi32, #tpu.memory_space<hbm>> -> memref<1x1x80xi32, #tpu.memory_space<hbm>>
          %dma_start3A_73 = tpu.memref_squeeze %dma_start3A_72 : memref<1x1x80xi32, #tpu.memory_space<hbm>> -> memref<80xi32, #tpu.memory_space<hbm>>
          %dma_start3A_74 = arith.constant 0 : i32
          %dma_start3A_75 = tpu.memref_slice %arg4[%add3A, %add3A_70, %dma_start3A_74] : memref<32x125x80xi32, #tpu.memory_space<hbm>> -> memref<1x1x80xi32, #tpu.memory_space<hbm>>
          %dma_start3A_76 = tpu.memref_squeeze %dma_start3A_75 : memref<1x1x80xi32, #tpu.memory_space<hbm>> -> memref<80xi32, #tpu.memory_space<hbm>>
          tpu.enqueue_dma source(%dma_start3A_76 : memref<80xi32, #tpu.memory_space<hbm>>) target(%arg8 : memref<80xi32, #tpu.memory_space<vmem>>) target_semaphore(%arg15 : memref<!tpu.dma_semaphore, #tpu.memory_space<semaphore_mem>>)
          %add3A_77 = arith.constant 2 : i32
          %add3A_78 = arith.addi %add3A_41, %add3A_77 : i32
          %dma_start3A_79 = arith.constant 0 : i32
          %dma_start3A_80 = tpu.memref_slice %arg7[%add3A_78, %dma_start3A_79] : memref<125x80xi32, #tpu.memory_space<vmem>> -> memref<1x80xi32, #tpu.memory_space<vmem>>
          %dma_start3A_81 = tpu.memref_squeeze %dma_start3A_80 : memref<1x80xi32, #tpu.memory_space<vmem>> -> memref<80xi32, #tpu.memory_space<vmem>>
          %dma_start3A_82 = arith.constant 0 : i32
          %dma_start3A_83 = arith.constant 0 : i32
          %dma_start3A_84 = tpu.memref_slice %arg2[%dma_start3A_82, %dma_start3A_83] : memref<10000x128xf32, #tpu.memory_space<hbm>> -> memref<10000x128xf32, #tpu.memory_space<hbm>>
          tpu.enqueue_indirect_dma source(%dma_start3A_84 : memref<10000x128xf32, #tpu.memory_space<hbm>>) target(%arg10 : memref<80x128xf32, #tpu.memory_space<vmem>>) offsets(%dma_start3A_81 : memref<80xi32, #tpu.memory_space<vmem>>) semaphore(%arg13 : memref<!tpu.dma_semaphore, #tpu.memory_space<semaphore_mem>>)
        } else {
        }
      } else {
      }
      %add3A_44 = arith.constant 1 : i32
      %add3A_45 = arith.addi %add3A_39, %add3A_44 : i32
      %lt3A_46 = arith.constant 125 : i32
      %lt3A_47 = arith.cmpi slt, %add3A_45, %lt3A_46 : i32
      %convert_element_type3A_48 = arith.extui %lt3A_47 : i1 to i32
      %cond3A_49 = arith.constant 0 : i32
      %cond3A_50 = arith.cmpi ne, %convert_element_type3A_48, %cond3A_49 : i32
      scf.if %cond3A_50 {
        %dma_wait3A = arith.constant 0 : i32
        %dma_wait3A_51 = tpu.memref_slice %arg7[%add3A_45, %dma_wait3A] : memref<125x80xi32, #tpu.memory_space<vmem>> -> memref<1x80xi32, #tpu.memory_space<vmem>>
        %dma_wait3A_52 = tpu.memref_squeeze %dma_wait3A_51 : memref<1x80xi32, #tpu.memory_space<vmem>> -> memref<80xi32, #tpu.memory_space<vmem>>
        %dma_wait3A_53 = arith.constant 0 : i32
        %dma_wait3A_54 = arith.constant 0 : i32
        %dma_wait3A_55 = tpu.memref_slice %arg2[%dma_wait3A_53, %dma_wait3A_54] : memref<10000x128xf32, #tpu.memory_space<hbm>> -> memref<10000x128xf32, #tpu.memory_space<hbm>>
        tpu.wait_indirect_dma semaphore(%arg14 : memref<!tpu.dma_semaphore, #tpu.memory_space<semaphore_mem>>) src(%dma_wait3A_55 : memref<10000x128xf32, #tpu.memory_space<hbm>>) dst(%arg11 : memref<80x128xf32, #tpu.memory_space<vmem>>)
        %dma_wait3A_56 = arith.constant 0 : i32
        %dma_wait3A_57 = tpu.memref_slice %arg4[%add3A, %add3A_45, %dma_wait3A_56] : memref<32x125x80xi32, #tpu.memory_space<hbm>> -> memref<1x1x80xi32, #tpu.memory_space<hbm>>
        %dma_wait3A_58 = tpu.memref_squeeze %dma_wait3A_57 : memref<1x1x80xi32, #tpu.memory_space<hbm>> -> memref<80xi32, #tpu.memory_space<hbm>>
        %dma_wait3A_59 = arith.constant 0 : i32
        %dma_wait3A_60 = tpu.memref_slice %arg4[%add3A, %add3A_45, %dma_wait3A_59] : memref<32x125x80xi32, #tpu.memory_space<hbm>> -> memref<1x1x80xi32, #tpu.memory_space<hbm>>
        %dma_wait3A_61 = tpu.memref_squeeze %dma_wait3A_60 : memref<1x1x80xi32, #tpu.memory_space<hbm>> -> memref<80xi32, #tpu.memory_space<hbm>>
        tpu.wait_dma2 semaphore(%arg16 : memref<!tpu.dma_semaphore, #tpu.memory_space<semaphore_mem>>) src(%dma_wait3A_61 : memref<80xi32, #tpu.memory_space<hbm>>) dst(%arg9 : memref<80xi32, #tpu.memory_space<vmem>>)
        "tpu.region"() ({
          %run_scoped3A = tpu.sem_alloc : memref<!tpu.dma_semaphore, #tpu.memory_space<semaphore_mem>>
          %dma_start3A_69 = arith.constant 0 : i32
          %dma_start3A_70 = arith.constant 0 : i32
          %dma_start3A_71 = tpu.memref_slice %arg12[%dma_start3A_69, %dma_start3A_70] : memref<10112x128xf32, #tpu.memory_space<vmem_shared>> -> memref<10112x128xf32, #tpu.memory_space<vmem_shared>>
          tpu.enqueue_indirect_dma source(%arg11 : memref<80x128xf32, #tpu.memory_space<vmem>>) target(%dma_start3A_71 : memref<10112x128xf32, #tpu.memory_space<vmem_shared>>) offsets(%arg9 : memref<80xi32, #tpu.memory_space<vmem>>) semaphore(%run_scoped3A : memref<!tpu.dma_semaphore, #tpu.memory_space<semaphore_mem>>) {add = true}
          %dma_wait3A_72 = arith.constant 0 : i32
          %dma_wait3A_73 = arith.constant 0 : i32
          %dma_wait3A_74 = tpu.memref_slice %arg12[%dma_wait3A_72, %dma_wait3A_73] : memref<10112x128xf32, #tpu.memory_space<vmem_shared>> -> memref<10112x128xf32, #tpu.memory_space<vmem_shared>>
          tpu.wait_indirect_dma semaphore(%run_scoped3A : memref<!tpu.dma_semaphore, #tpu.memory_space<semaphore_mem>>) src(%arg11 : memref<80x128xf32, #tpu.memory_space<vmem>>) dst(%dma_wait3A_74 : memref<10112x128xf32, #tpu.memory_space<vmem_shared>>)
          tpu.yield
        }) : () -> ()
        %add3A_62 = arith.constant 2 : i32
        %add3A_63 = arith.addi %add3A_45, %add3A_62 : i32
        %lt3A_64 = arith.constant 125 : i32
        %lt3A_65 = arith.cmpi slt, %add3A_63, %lt3A_64 : i32
        %convert_element_type3A_66 = arith.extui %lt3A_65 : i1 to i32
        %cond3A_67 = arith.constant 0 : i32
        %cond3A_68 = arith.cmpi ne, %convert_element_type3A_66, %cond3A_67 : i32
        scf.if %cond3A_68 {
          %add3A_69 = arith.constant 2 : i32
          %add3A_70 = arith.addi %add3A_45, %add3A_69 : i32
          %dma_start3A_71 = arith.constant 0 : i32
          %dma_start3A_72 = tpu.memref_slice %arg4[%add3A, %add3A_70, %dma_start3A_71] : memref<32x125x80xi32, #tpu.memory_space<hbm>> -> memref<1x1x80xi32, #tpu.memory_space<hbm>>
          %dma_start3A_73 = tpu.memref_squeeze %dma_start3A_72 : memref<1x1x80xi32, #tpu.memory_space<hbm>> -> memref<80xi32, #tpu.memory_space<hbm>>
          %dma_start3A_74 = arith.constant 0 : i32
          %dma_start3A_75 = tpu.memref_slice %arg4[%add3A, %add3A_70, %dma_start3A_74] : memref<32x125x80xi32, #tpu.memory_space<hbm>> -> memref<1x1x80xi32, #tpu.memory_space<hbm>>
          %dma_start3A_76 = tpu.memref_squeeze %dma_start3A_75 : memref<1x1x80xi32, #tpu.memory_space<hbm>> -> memref<80xi32, #tpu.memory_space<hbm>>
          tpu.enqueue_dma source(%dma_start3A_76 : memref<80xi32, #tpu.memory_space<hbm>>) target(%arg9 : memref<80xi32, #tpu.memory_space<vmem>>) target_semaphore(%arg16 : memref<!tpu.dma_semaphore, #tpu.memory_space<semaphore_mem>>)
          %add3A_77 = arith.constant 2 : i32
          %add3A_78 = arith.addi %add3A_45, %add3A_77 : i32
          %dma_start3A_79 = arith.constant 0 : i32
          %dma_start3A_80 = tpu.memref_slice %arg7[%add3A_78, %dma_start3A_79] : memref<125x80xi32, #tpu.memory_space<vmem>> -> memref<1x80xi32, #tpu.memory_space<vmem>>
          %dma_start3A_81 = tpu.memref_squeeze %dma_start3A_80 : memref<1x80xi32, #tpu.memory_space<vmem>> -> memref<80xi32, #tpu.memory_space<vmem>>
          %dma_start3A_82 = arith.constant 0 : i32
          %dma_start3A_83 = arith.constant 0 : i32
          %dma_start3A_84 = tpu.memref_slice %arg2[%dma_start3A_82, %dma_start3A_83] : memref<10000x128xf32, #tpu.memory_space<hbm>> -> memref<10000x128xf32, #tpu.memory_space<hbm>>
          tpu.enqueue_indirect_dma source(%dma_start3A_84 : memref<10000x128xf32, #tpu.memory_space<hbm>>) target(%arg11 : memref<80x128xf32, #tpu.memory_space<vmem>>) offsets(%dma_start3A_81 : memref<80xi32, #tpu.memory_space<vmem>>) semaphore(%arg14 : memref<!tpu.dma_semaphore, #tpu.memory_space<semaphore_mem>>)
        } else {
        }
      } else {
      }
    }
    %scan3A_33 = arith.constant 63 : i32
    %barrier3A_34 = arith.constant 0 : index
    tpu.barrier barrier_id(%barrier3A_34)
    "tpu.region"() ({
      %run_scoped3A = tpu.sem_alloc : memref<!tpu.dma_semaphore, #tpu.memory_space<semaphore_mem>>
      %dma_start3A_35 = arith.constant 0 : i32
      %dma_start3A_36 = tpu.memref_slice %arg6[%arg0, %mul3A_2, %dma_start3A_35] : memref<2x10112x128xf32, #tpu.memory_space<hbm>> -> memref<1x632x128xf32, #tpu.memory_space<hbm>>
      %dma_start3A_37 = tpu.memref_squeeze %dma_start3A_36 : memref<1x632x128xf32, #tpu.memory_space<hbm>> -> memref<632x128xf32, #tpu.memory_space<hbm>>
      %dma_start3A_38 = arith.constant 0 : i32
      %dma_start3A_39 = tpu.memref_slice %arg12[%mul3A_2, %dma_start3A_38] : memref<10112x128xf32, #tpu.memory_space<vmem_shared>> -> memref<632x128xf32, #tpu.memory_space<vmem_shared>>
      tpu.enqueue_dma source(%dma_start3A_39 : memref<632x128xf32, #tpu.memory_space<vmem_shared>>) target(%dma_start3A_37 : memref<632x128xf32, #tpu.memory_space<hbm>>) target_semaphore(%run_scoped3A : memref<!tpu.dma_semaphore, #tpu.memory_space<semaphore_mem>>)
      %dma_wait3A = arith.constant 0 : i32
      %dma_wait3A_40 = tpu.memref_slice %arg6[%arg0, %mul3A_2, %dma_wait3A] : memref<2x10112x128xf32, #tpu.memory_space<hbm>> -> memref<1x632x128xf32, #tpu.memory_space<hbm>>
      %dma_wait3A_41 = tpu.memref_squeeze %dma_wait3A_40 : memref<1x632x128xf32, #tpu.memory_space<hbm>> -> memref<632x128xf32, #tpu.memory_space<hbm>>
      %dma_wait3A_42 = arith.constant 0 : i32
      %dma_wait3A_43 = tpu.memref_slice %arg12[%mul3A_2, %dma_wait3A_42] : memref<10112x128xf32, #tpu.memory_space<vmem_shared>> -> memref<632x128xf32, #tpu.memory_space<vmem_shared>>
      tpu.wait_dma2 semaphore(%run_scoped3A : memref<!tpu.dma_semaphore, #tpu.memory_space<semaphore_mem>>) src(%dma_wait3A_43 : memref<632x128xf32, #tpu.memory_space<vmem_shared>>) dst(%dma_wait3A_41 : memref<632x128xf32, #tpu.memory_space<hbm>>)
      tpu.yield
    }) : () -> ()
    return
  }
}

#map = affine_map<(d0, d1) -> (0, 0, 0)>
#map1 = affine_map<(d0, d1) -> (0, 0)>
module attributes {stable_mosaic.version = 14 : i64} {
  func.func @count_kernel(%arg0: i32, %arg1: i32, %arg2: memref<32x125x80xi32, #tpu.memory_space<hbm>>, %arg3: memref<10112x128xf32, #tpu.memory_space<hbm>>, %arg4: memref<80x128xf32, #tpu.memory_space<hbm>>, %arg5: memref<2x10112x128xf32, #tpu.memory_space<hbm>>, %arg6: memref<125x80xi32, #tpu.memory_space<vmem>>, %arg7: memref<80x128xf32, #tpu.memory_space<vmem>>, %arg8: memref<10112x128xf32, #tpu.memory_space<vmem_shared>>, %arg9: memref<!tpu.dma_semaphore, #tpu.memory_space<semaphore_mem>>) attributes {dimension_semantics = [#tpu.dimension_semantics<core_parallel>, #tpu.dimension_semantics<subcore_parallel>], iteration_bounds = array<i64: 2, 16>, scalar_prefetch = 0 : i64, scratch_operands = 4 : i64, tpu.core_type = #tpu.core_type<sc_vector_subcore>, window_params = [{transform_indices = #map}, {transform_indices = #map1}, {transform_indices = #map1}, {transform_indices = #map}]} {
    %mul3A = arith.constant 2 : i32
    %mul3A_0 = arith.muli %arg1, %mul3A : i32
    %add3A = arith.addi %mul3A_0, %arg0 : i32
    %mul3A_1 = arith.constant 632 : i32
    %mul3A_2 = arith.muli %arg1, %mul3A_1 : i32
    "tpu.region"() ({
      %run_scoped3A = tpu.sem_alloc : memref<!tpu.dma_semaphore, #tpu.memory_space<semaphore_mem>>
      %dma_start3A = arith.constant 0 : i32
      %dma_start3A_8 = tpu.memref_slice %arg8[%mul3A_2, %dma_start3A] : memref<10112x128xf32, #tpu.memory_space<vmem_shared>> -> memref<632x128xf32, #tpu.memory_space<vmem_shared>>
      %dma_start3A_9 = arith.constant 0 : i32
      %dma_start3A_10 = tpu.memref_slice %arg3[%mul3A_2, %dma_start3A_9] : memref<10112x128xf32, #tpu.memory_space<hbm>> -> memref<632x128xf32, #tpu.memory_space<hbm>>
      tpu.enqueue_dma source(%dma_start3A_10 : memref<632x128xf32, #tpu.memory_space<hbm>>) target(%dma_start3A_8 : memref<632x128xf32, #tpu.memory_space<vmem_shared>>) target_semaphore(%run_scoped3A : memref<!tpu.dma_semaphore, #tpu.memory_space<semaphore_mem>>)
      %dma_wait3A = arith.constant 0 : i32
      %dma_wait3A_11 = tpu.memref_slice %arg8[%mul3A_2, %dma_wait3A] : memref<10112x128xf32, #tpu.memory_space<vmem_shared>> -> memref<632x128xf32, #tpu.memory_space<vmem_shared>>
      %dma_wait3A_12 = arith.constant 0 : i32
      %dma_wait3A_13 = tpu.memref_slice %arg3[%mul3A_2, %dma_wait3A_12] : memref<10112x128xf32, #tpu.memory_space<hbm>> -> memref<632x128xf32, #tpu.memory_space<hbm>>
      tpu.wait_dma2 semaphore(%run_scoped3A : memref<!tpu.dma_semaphore, #tpu.memory_space<semaphore_mem>>) src(%dma_wait3A_13 : memref<632x128xf32, #tpu.memory_space<hbm>>) dst(%dma_wait3A_11 : memref<632x128xf32, #tpu.memory_space<vmem_shared>>)
      tpu.yield
    }) : () -> ()
    "tpu.region"() ({
      %run_scoped3A = tpu.sem_alloc : memref<!tpu.dma_semaphore, #tpu.memory_space<semaphore_mem>>
      %dma_start3A = arith.constant 0 : i32
      %dma_start3A_8 = arith.constant 0 : i32
      %dma_start3A_9 = tpu.memref_slice %arg2[%add3A, %dma_start3A, %dma_start3A_8] : memref<32x125x80xi32, #tpu.memory_space<hbm>> -> memref<1x125x80xi32, #tpu.memory_space<hbm>>
      %dma_start3A_10 = tpu.memref_squeeze %dma_start3A_9 : memref<1x125x80xi32, #tpu.memory_space<hbm>> -> memref<125x80xi32, #tpu.memory_space<hbm>>
      %dma_start3A_11 = arith.constant 0 : i32
      %dma_start3A_12 = arith.constant 0 : i32
      %dma_start3A_13 = tpu.memref_slice %arg2[%add3A, %dma_start3A_11, %dma_start3A_12] : memref<32x125x80xi32, #tpu.memory_space<hbm>> -> memref<1x125x80xi32, #tpu.memory_space<hbm>>
      %dma_start3A_14 = tpu.memref_squeeze %dma_start3A_13 : memref<1x125x80xi32, #tpu.memory_space<hbm>> -> memref<125x80xi32, #tpu.memory_space<hbm>>
      tpu.enqueue_dma source(%dma_start3A_14 : memref<125x80xi32, #tpu.memory_space<hbm>>) target(%arg6 : memref<125x80xi32, #tpu.memory_space<vmem>>) target_semaphore(%run_scoped3A : memref<!tpu.dma_semaphore, #tpu.memory_space<semaphore_mem>>)
      %dma_wait3A = arith.constant 0 : i32
      %dma_wait3A_15 = arith.constant 0 : i32
      %dma_wait3A_16 = tpu.memref_slice %arg2[%add3A, %dma_wait3A, %dma_wait3A_15] : memref<32x125x80xi32, #tpu.memory_space<hbm>> -> memref<1x125x80xi32, #tpu.memory_space<hbm>>
      %dma_wait3A_17 = tpu.memref_squeeze %dma_wait3A_16 : memref<1x125x80xi32, #tpu.memory_space<hbm>> -> memref<125x80xi32, #tpu.memory_space<hbm>>
      %dma_wait3A_18 = arith.constant 0 : i32
      %dma_wait3A_19 = arith.constant 0 : i32
      %dma_wait3A_20 = tpu.memref_slice %arg2[%add3A, %dma_wait3A_18, %dma_wait3A_19] : memref<32x125x80xi32, #tpu.memory_space<hbm>> -> memref<1x125x80xi32, #tpu.memory_space<hbm>>
      %dma_wait3A_21 = tpu.memref_squeeze %dma_wait3A_20 : memref<1x125x80xi32, #tpu.memory_space<hbm>> -> memref<125x80xi32, #tpu.memory_space<hbm>>
      tpu.wait_dma2 semaphore(%run_scoped3A : memref<!tpu.dma_semaphore, #tpu.memory_space<semaphore_mem>>) src(%dma_wait3A_21 : memref<125x80xi32, #tpu.memory_space<hbm>>) dst(%arg6 : memref<125x80xi32, #tpu.memory_space<vmem>>)
      tpu.yield
    }) : () -> ()
    "tpu.region"() ({
      %run_scoped3A = tpu.sem_alloc : memref<!tpu.dma_semaphore, #tpu.memory_space<semaphore_mem>>
      tpu.enqueue_dma source(%arg4 : memref<80x128xf32, #tpu.memory_space<hbm>>) target(%arg7 : memref<80x128xf32, #tpu.memory_space<vmem>>) target_semaphore(%run_scoped3A : memref<!tpu.dma_semaphore, #tpu.memory_space<semaphore_mem>>)
      tpu.wait_dma2 semaphore(%run_scoped3A : memref<!tpu.dma_semaphore, #tpu.memory_space<semaphore_mem>>) src(%arg4 : memref<80x128xf32, #tpu.memory_space<hbm>>) dst(%arg7 : memref<80x128xf32, #tpu.memory_space<vmem>>)
      tpu.yield
    }) : () -> ()
    %barrier3A = arith.constant 0 : index
    tpu.barrier barrier_id(%barrier3A)
    %scan3A = arith.constant 0 : i32
    %scan3A_3 = arith.constant 125 : i32
    %scan3A_4 = arith.addi %scan3A, %scan3A_3 : i32
    %scan3A_5 = arith.constant 1 : i32
    scf.for %scan3A_8 = %scan3A to %scan3A_4 step %scan3A_5  : i32 {
      %mul3A_9 = arith.constant 1 : i32
      %mul3A_10 = arith.muli %scan3A_8, %mul3A_9 : i32
      %add3A_11 = arith.constant 0 : i32
      %add3A_12 = arith.addi %add3A_11, %mul3A_10 : i32
      "tpu.region"() ({
        %run_scoped3A = tpu.sem_alloc : memref<!tpu.dma_semaphore, #tpu.memory_space<semaphore_mem>>
        %dma_start3A = arith.constant 0 : i32
        %dma_start3A_13 = tpu.memref_slice %arg6[%add3A_12, %dma_start3A] : memref<125x80xi32, #tpu.memory_space<vmem>> -> memref<1x80xi32, #tpu.memory_space<vmem>>
        %dma_start3A_14 = tpu.memref_squeeze %dma_start3A_13 : memref<1x80xi32, #tpu.memory_space<vmem>> -> memref<80xi32, #tpu.memory_space<vmem>>
        %dma_start3A_15 = arith.constant 0 : i32
        %dma_start3A_16 = arith.constant 0 : i32
        %dma_start3A_17 = tpu.memref_slice %arg8[%dma_start3A_15, %dma_start3A_16] : memref<10112x128xf32, #tpu.memory_space<vmem_shared>> -> memref<10112x128xf32, #tpu.memory_space<vmem_shared>>
        tpu.enqueue_indirect_dma source(%arg7 : memref<80x128xf32, #tpu.memory_space<vmem>>) target(%dma_start3A_17 : memref<10112x128xf32, #tpu.memory_space<vmem_shared>>) offsets(%dma_start3A_14 : memref<80xi32, #tpu.memory_space<vmem>>) semaphore(%run_scoped3A : memref<!tpu.dma_semaphore, #tpu.memory_space<semaphore_mem>>) {add = true}
        %dma_wait3A = arith.constant 0 : i32
        %dma_wait3A_18 = tpu.memref_slice %arg6[%add3A_12, %dma_wait3A] : memref<125x80xi32, #tpu.memory_space<vmem>> -> memref<1x80xi32, #tpu.memory_space<vmem>>
        %dma_wait3A_19 = tpu.memref_squeeze %dma_wait3A_18 : memref<1x80xi32, #tpu.memory_space<vmem>> -> memref<80xi32, #tpu.memory_space<vmem>>
        %dma_wait3A_20 = arith.constant 0 : i32
        %dma_wait3A_21 = arith.constant 0 : i32
        %dma_wait3A_22 = tpu.memref_slice %arg8[%dma_wait3A_20, %dma_wait3A_21] : memref<10112x128xf32, #tpu.memory_space<vmem_shared>> -> memref<10112x128xf32, #tpu.memory_space<vmem_shared>>
        tpu.wait_indirect_dma semaphore(%run_scoped3A : memref<!tpu.dma_semaphore, #tpu.memory_space<semaphore_mem>>) src(%arg7 : memref<80x128xf32, #tpu.memory_space<vmem>>) dst(%dma_wait3A_22 : memref<10112x128xf32, #tpu.memory_space<vmem_shared>>)
        tpu.yield
      }) : () -> ()
    }
    %scan3A_6 = arith.constant 125 : i32
    %barrier3A_7 = arith.constant 0 : index
    tpu.barrier barrier_id(%barrier3A_7)
    "tpu.region"() ({
      %run_scoped3A = tpu.sem_alloc : memref<!tpu.dma_semaphore, #tpu.memory_space<semaphore_mem>>
      %dma_start3A = arith.constant 0 : i32
      %dma_start3A_8 = tpu.memref_slice %arg5[%arg0, %mul3A_2, %dma_start3A] : memref<2x10112x128xf32, #tpu.memory_space<hbm>> -> memref<1x632x128xf32, #tpu.memory_space<hbm>>
      %dma_start3A_9 = tpu.memref_squeeze %dma_start3A_8 : memref<1x632x128xf32, #tpu.memory_space<hbm>> -> memref<632x128xf32, #tpu.memory_space<hbm>>
      %dma_start3A_10 = arith.constant 0 : i32
      %dma_start3A_11 = tpu.memref_slice %arg8[%mul3A_2, %dma_start3A_10] : memref<10112x128xf32, #tpu.memory_space<vmem_shared>> -> memref<632x128xf32, #tpu.memory_space<vmem_shared>>
      tpu.enqueue_dma source(%dma_start3A_11 : memref<632x128xf32, #tpu.memory_space<vmem_shared>>) target(%dma_start3A_9 : memref<632x128xf32, #tpu.memory_space<hbm>>) target_semaphore(%run_scoped3A : memref<!tpu.dma_semaphore, #tpu.memory_space<semaphore_mem>>)
      %dma_wait3A = arith.constant 0 : i32
      %dma_wait3A_12 = tpu.memref_slice %arg5[%arg0, %mul3A_2, %dma_wait3A] : memref<2x10112x128xf32, #tpu.memory_space<hbm>> -> memref<1x632x128xf32, #tpu.memory_space<hbm>>
      %dma_wait3A_13 = tpu.memref_squeeze %dma_wait3A_12 : memref<1x632x128xf32, #tpu.memory_space<hbm>> -> memref<632x128xf32, #tpu.memory_space<hbm>>
      %dma_wait3A_14 = arith.constant 0 : i32
      %dma_wait3A_15 = tpu.memref_slice %arg8[%mul3A_2, %dma_wait3A_14] : memref<10112x128xf32, #tpu.memory_space<vmem_shared>> -> memref<632x128xf32, #tpu.memory_space<vmem_shared>>
      tpu.wait_dma2 semaphore(%run_scoped3A : memref<!tpu.dma_semaphore, #tpu.memory_space<semaphore_mem>>) src(%dma_wait3A_15 : memref<632x128xf32, #tpu.memory_space<vmem_shared>>) dst(%dma_wait3A_13 : memref<632x128xf32, #tpu.memory_space<hbm>>)
      tpu.yield
    }) : () -> ()
    return
  }
}

#map = affine_map<(d0, d1) -> (0, 0)>
#map1 = affine_map<(d0, d1) -> (0, 0, 0)>
module attributes {stable_mosaic.version = 14 : i64} {
  func.func @agg_kernel(%arg0: i32, %arg1: i32, %arg2: memref<10000x128xf32, #tpu.memory_space<hbm>>, %arg3: memref<32x125x80xi32, #tpu.memory_space<hbm>>, %arg4: memref<32x125x80xi32, #tpu.memory_space<hbm>>, %arg5: memref<10112x128xf32, #tpu.memory_space<hbm>>, %arg6: memref<2x10112x128xf32, #tpu.memory_space<hbm>>, %arg7: memref<125x80xi32, #tpu.memory_space<vmem>>, %arg8: memref<80xi32, #tpu.memory_space<vmem>>, %arg9: memref<80xi32, #tpu.memory_space<vmem>>, %arg10: memref<80x128xf32, #tpu.memory_space<vmem>>, %arg11: memref<80x128xf32, #tpu.memory_space<vmem>>, %arg12: memref<10112x128xf32, #tpu.memory_space<vmem_shared>>, %arg13: memref<!tpu.dma_semaphore, #tpu.memory_space<semaphore_mem>>, %arg14: memref<!tpu.dma_semaphore, #tpu.memory_space<semaphore_mem>>, %arg15: memref<!tpu.dma_semaphore, #tpu.memory_space<semaphore_mem>>, %arg16: memref<!tpu.dma_semaphore, #tpu.memory_space<semaphore_mem>>) attributes {dimension_semantics = [#tpu.dimension_semantics<core_parallel>, #tpu.dimension_semantics<subcore_parallel>], iteration_bounds = array<i64: 2, 16>, scalar_prefetch = 0 : i64, scratch_operands = 10 : i64, tpu.core_type = #tpu.core_type<sc_vector_subcore>, window_params = [{transform_indices = #map}, {transform_indices = #map1}, {transform_indices = #map1}, {transform_indices = #map}, {transform_indices = #map1}]} {
    %mul3A = arith.constant 2 : i32
    %mul3A_0 = arith.muli %arg1, %mul3A : i32
    %add3A = arith.addi %mul3A_0, %arg0 : i32
    %mul3A_1 = arith.constant 632 : i32
    %mul3A_2 = arith.muli %arg1, %mul3A_1 : i32
    "tpu.region"() ({
      %run_scoped3A = tpu.sem_alloc : memref<!tpu.dma_semaphore, #tpu.memory_space<semaphore_mem>>
      %dma_start3A_35 = arith.constant 0 : i32
      %dma_start3A_36 = tpu.memref_slice %arg12[%mul3A_2, %dma_start3A_35] : memref<10112x128xf32, #tpu.memory_space<vmem_shared>> -> memref<632x128xf32, #tpu.memory_space<vmem_shared>>
      %dma_start3A_37 = arith.constant 0 : i32
      %dma_start3A_38 = tpu.memref_slice %arg5[%mul3A_2, %dma_start3A_37] : memref<10112x128xf32, #tpu.memory_space<hbm>> -> memref<632x128xf32, #tpu.memory_space<hbm>>
      tpu.enqueue_dma source(%dma_start3A_38 : memref<632x128xf32, #tpu.memory_space<hbm>>) target(%dma_start3A_36 : memref<632x128xf32, #tpu.memory_space<vmem_shared>>) target_semaphore(%run_scoped3A : memref<!tpu.dma_semaphore, #tpu.memory_space<semaphore_mem>>)
      %dma_wait3A = arith.constant 0 : i32
      %dma_wait3A_39 = tpu.memref_slice %arg12[%mul3A_2, %dma_wait3A] : memref<10112x128xf32, #tpu.memory_space<vmem_shared>> -> memref<632x128xf32, #tpu.memory_space<vmem_shared>>
      %dma_wait3A_40 = arith.constant 0 : i32
      %dma_wait3A_41 = tpu.memref_slice %arg5[%mul3A_2, %dma_wait3A_40] : memref<10112x128xf32, #tpu.memory_space<hbm>> -> memref<632x128xf32, #tpu.memory_space<hbm>>
      tpu.wait_dma2 semaphore(%run_scoped3A : memref<!tpu.dma_semaphore, #tpu.memory_space<semaphore_mem>>) src(%dma_wait3A_41 : memref<632x128xf32, #tpu.memory_space<hbm>>) dst(%dma_wait3A_39 : memref<632x128xf32, #tpu.memory_space<vmem_shared>>)
      tpu.yield
    }) : () -> ()
    "tpu.region"() ({
      %run_scoped3A = tpu.sem_alloc : memref<!tpu.dma_semaphore, #tpu.memory_space<semaphore_mem>>
      %dma_start3A_35 = arith.constant 0 : i32
      %dma_start3A_36 = arith.constant 0 : i32
      %dma_start3A_37 = tpu.memref_slice %arg3[%add3A, %dma_start3A_35, %dma_start3A_36] : memref<32x125x80xi32, #tpu.memory_space<hbm>> -> memref<1x125x80xi32, #tpu.memory_space<hbm>>
      %dma_start3A_38 = tpu.memref_squeeze %dma_start3A_37 : memref<1x125x80xi32, #tpu.memory_space<hbm>> -> memref<125x80xi32, #tpu.memory_space<hbm>>
      %dma_start3A_39 = arith.constant 0 : i32
      %dma_start3A_40 = arith.constant 0 : i32
      %dma_start3A_41 = tpu.memref_slice %arg3[%add3A, %dma_start3A_39, %dma_start3A_40] : memref<32x125x80xi32, #tpu.memory_space<hbm>> -> memref<1x125x80xi32, #tpu.memory_space<hbm>>
      %dma_start3A_42 = tpu.memref_squeeze %dma_start3A_41 : memref<1x125x80xi32, #tpu.memory_space<hbm>> -> memref<125x80xi32, #tpu.memory_space<hbm>>
      tpu.enqueue_dma source(%dma_start3A_42 : memref<125x80xi32, #tpu.memory_space<hbm>>) target(%arg7 : memref<125x80xi32, #tpu.memory_space<vmem>>) target_semaphore(%run_scoped3A : memref<!tpu.dma_semaphore, #tpu.memory_space<semaphore_mem>>)
      %dma_wait3A = arith.constant 0 : i32
      %dma_wait3A_43 = arith.constant 0 : i32
      %dma_wait3A_44 = tpu.memref_slice %arg3[%add3A, %dma_wait3A, %dma_wait3A_43] : memref<32x125x80xi32, #tpu.memory_space<hbm>> -> memref<1x125x80xi32, #tpu.memory_space<hbm>>
      %dma_wait3A_45 = tpu.memref_squeeze %dma_wait3A_44 : memref<1x125x80xi32, #tpu.memory_space<hbm>> -> memref<125x80xi32, #tpu.memory_space<hbm>>
      %dma_wait3A_46 = arith.constant 0 : i32
      %dma_wait3A_47 = arith.constant 0 : i32
      %dma_wait3A_48 = tpu.memref_slice %arg3[%add3A, %dma_wait3A_46, %dma_wait3A_47] : memref<32x125x80xi32, #tpu.memory_space<hbm>> -> memref<1x125x80xi32, #tpu.memory_space<hbm>>
      %dma_wait3A_49 = tpu.memref_squeeze %dma_wait3A_48 : memref<1x125x80xi32, #tpu.memory_space<hbm>> -> memref<125x80xi32, #tpu.memory_space<hbm>>
      tpu.wait_dma2 semaphore(%run_scoped3A : memref<!tpu.dma_semaphore, #tpu.memory_space<semaphore_mem>>) src(%dma_wait3A_49 : memref<125x80xi32, #tpu.memory_space<hbm>>) dst(%arg7 : memref<125x80xi32, #tpu.memory_space<vmem>>)
      tpu.yield
    }) : () -> ()
    %barrier3A = arith.constant 0 : index
    tpu.barrier barrier_id(%barrier3A)
    %dma_start3A = arith.constant 0 : i32
    %dma_start3A_3 = arith.constant 0 : i32
    %dma_start3A_4 = tpu.memref_slice %arg4[%add3A, %dma_start3A, %dma_start3A_3] : memref<32x125x80xi32, #tpu.memory_space<hbm>> -> memref<1x1x80xi32, #tpu.memory_space<hbm>>
    %dma_start3A_5 = tpu.memref_squeeze %dma_start3A_4 : memref<1x1x80xi32, #tpu.memory_space<hbm>> -> memref<80xi32, #tpu.memory_space<hbm>>
    %dma_start3A_6 = arith.constant 0 : i32
    %dma_start3A_7 = tpu.memref_slice %arg4[%add3A, %dma_start3A, %dma_start3A_6] : memref<32x125x80xi32, #tpu.memory_space<hbm>> -> memref<1x1x80xi32, #tpu.memory_space<hbm>>
    %dma_start3A_8 = tpu.memref_squeeze %dma_start3A_7 : memref<1x1x80xi32, #tpu.memory_space<hbm>> -> memref<80xi32, #tpu.memory_space<hbm>>
    tpu.enqueue_dma source(%dma_start3A_8 : memref<80xi32, #tpu.memory_space<hbm>>) target(%arg8 : memref<80xi32, #tpu.memory_space<vmem>>) target_semaphore(%arg15 : memref<!tpu.dma_semaphore, #tpu.memory_space<semaphore_mem>>)
    %dma_start3A_9 = arith.constant 0 : i32
    %dma_start3A_10 = arith.constant 0 : i32
    %dma_start3A_11 = tpu.memref_slice %arg7[%dma_start3A_9, %dma_start3A_10] : memref<125x80xi32, #tpu.memory_space<vmem>> -> memref<1x80xi32, #tpu.memory_space<vmem>>
    %dma_start3A_12 = tpu.memref_squeeze %dma_start3A_11 : memref<1x80xi32, #tpu.memory_space<vmem>> -> memref<80xi32, #tpu.memory_space<vmem>>
    %dma_start3A_13 = arith.constant 0 : i32
    %dma_start3A_14 = arith.constant 0 : i32
    %dma_start3A_15 = tpu.memref_slice %arg2[%dma_start3A_13, %dma_start3A_14] : memref<10000x128xf32, #tpu.memory_space<hbm>> -> memref<10000x128xf32, #tpu.memory_space<hbm>>
    tpu.enqueue_indirect_dma source(%dma_start3A_15 : memref<10000x128xf32, #tpu.memory_space<hbm>>) target(%arg10 : memref<80x128xf32, #tpu.memory_space<vmem>>) offsets(%dma_start3A_12 : memref<80xi32, #tpu.memory_space<vmem>>) semaphore(%arg13 : memref<!tpu.dma_semaphore, #tpu.memory_space<semaphore_mem>>)
    %dma_start3A_16 = arith.constant 1 : i32
    %dma_start3A_17 = arith.constant 0 : i32
    %dma_start3A_18 = tpu.memref_slice %arg4[%add3A, %dma_start3A_16, %dma_start3A_17] : memref<32x125x80xi32, #tpu.memory_space<hbm>> -> memref<1x1x80xi32, #tpu.memory_space<hbm>>
    %dma_start3A_19 = tpu.memref_squeeze %dma_start3A_18 : memref<1x1x80xi32, #tpu.memory_space<hbm>> -> memref<80xi32, #tpu.memory_space<hbm>>
    %dma_start3A_20 = arith.constant 0 : i32
    %dma_start3A_21 = tpu.memref_slice %arg4[%add3A, %dma_start3A_16, %dma_start3A_20] : memref<32x125x80xi32, #tpu.memory_space<hbm>> -> memref<1x1x80xi32, #tpu.memory_space<hbm>>
    %dma_start3A_22 = tpu.memref_squeeze %dma_start3A_21 : memref<1x1x80xi32, #tpu.memory_space<hbm>> -> memref<80xi32, #tpu.memory_space<hbm>>
    tpu.enqueue_dma source(%dma_start3A_22 : memref<80xi32, #tpu.memory_space<hbm>>) target(%arg9 : memref<80xi32, #tpu.memory_space<vmem>>) target_semaphore(%arg16 : memref<!tpu.dma_semaphore, #tpu.memory_space<semaphore_mem>>)
    %dma_start3A_23 = arith.constant 1 : i32
    %dma_start3A_24 = arith.constant 0 : i32
    %dma_start3A_25 = tpu.memref_slice %arg7[%dma_start3A_23, %dma_start3A_24] : memref<125x80xi32, #tpu.memory_space<vmem>> -> memref<1x80xi32, #tpu.memory_space<vmem>>
    %dma_start3A_26 = tpu.memref_squeeze %dma_start3A_25 : memref<1x80xi32, #tpu.memory_space<vmem>> -> memref<80xi32, #tpu.memory_space<vmem>>
    %dma_start3A_27 = arith.constant 0 : i32
    %dma_start3A_28 = arith.constant 0 : i32
    %dma_start3A_29 = tpu.memref_slice %arg2[%dma_start3A_27, %dma_start3A_28] : memref<10000x128xf32, #tpu.memory_space<hbm>> -> memref<10000x128xf32, #tpu.memory_space<hbm>>
    tpu.enqueue_indirect_dma source(%dma_start3A_29 : memref<10000x128xf32, #tpu.memory_space<hbm>>) target(%arg11 : memref<80x128xf32, #tpu.memory_space<vmem>>) offsets(%dma_start3A_26 : memref<80xi32, #tpu.memory_space<vmem>>) semaphore(%arg14 : memref<!tpu.dma_semaphore, #tpu.memory_space<semaphore_mem>>)
    %scan3A = arith.constant 0 : i32
    %scan3A_30 = arith.constant 63 : i32
    %scan3A_31 = arith.addi %scan3A, %scan3A_30 : i32
    %scan3A_32 = arith.constant 1 : i32
    scf.for %scan3A_35 = %scan3A to %scan3A_31 step %scan3A_32  : i32 {
      %mul3A_36 = arith.constant 2 : i32
      %mul3A_37 = arith.muli %scan3A_35, %mul3A_36 : i32
      %add3A_38 = arith.constant 0 : i32
      %add3A_39 = arith.addi %add3A_38, %mul3A_37 : i32
      %add3A_40 = arith.constant 0 : i32
      %add3A_41 = arith.addi %add3A_39, %add3A_40 : i32
      %lt3A = arith.constant 125 : i32
      %lt3A_42 = arith.cmpi slt, %add3A_41, %lt3A : i32
      %convert_element_type3A = arith.extui %lt3A_42 : i1 to i32
      %cond3A = arith.constant 0 : i32
      %cond3A_43 = arith.cmpi ne, %convert_element_type3A, %cond3A : i32
      scf.if %cond3A_43 {
        %dma_wait3A = arith.constant 0 : i32
        %dma_wait3A_51 = tpu.memref_slice %arg7[%add3A_41, %dma_wait3A] : memref<125x80xi32, #tpu.memory_space<vmem>> -> memref<1x80xi32, #tpu.memory_space<vmem>>
        %dma_wait3A_52 = tpu.memref_squeeze %dma_wait3A_51 : memref<1x80xi32, #tpu.memory_space<vmem>> -> memref<80xi32, #tpu.memory_space<vmem>>
        %dma_wait3A_53 = arith.constant 0 : i32
        %dma_wait3A_54 = arith.constant 0 : i32
        %dma_wait3A_55 = tpu.memref_slice %arg2[%dma_wait3A_53, %dma_wait3A_54] : memref<10000x128xf32, #tpu.memory_space<hbm>> -> memref<10000x128xf32, #tpu.memory_space<hbm>>
        tpu.wait_indirect_dma semaphore(%arg13 : memref<!tpu.dma_semaphore, #tpu.memory_space<semaphore_mem>>) src(%dma_wait3A_55 : memref<10000x128xf32, #tpu.memory_space<hbm>>) dst(%arg10 : memref<80x128xf32, #tpu.memory_space<vmem>>)
        %dma_wait3A_56 = arith.constant 0 : i32
        %dma_wait3A_57 = tpu.memref_slice %arg4[%add3A, %add3A_41, %dma_wait3A_56] : memref<32x125x80xi32, #tpu.memory_space<hbm>> -> memref<1x1x80xi32, #tpu.memory_space<hbm>>
        %dma_wait3A_58 = tpu.memref_squeeze %dma_wait3A_57 : memref<1x1x80xi32, #tpu.memory_space<hbm>> -> memref<80xi32, #tpu.memory_space<hbm>>
        %dma_wait3A_59 = arith.constant 0 : i32
        %dma_wait3A_60 = tpu.memref_slice %arg4[%add3A, %add3A_41, %dma_wait3A_59] : memref<32x125x80xi32, #tpu.memory_space<hbm>> -> memref<1x1x80xi32, #tpu.memory_space<hbm>>
        %dma_wait3A_61 = tpu.memref_squeeze %dma_wait3A_60 : memref<1x1x80xi32, #tpu.memory_space<hbm>> -> memref<80xi32, #tpu.memory_space<hbm>>
        tpu.wait_dma2 semaphore(%arg15 : memref<!tpu.dma_semaphore, #tpu.memory_space<semaphore_mem>>) src(%dma_wait3A_61 : memref<80xi32, #tpu.memory_space<hbm>>) dst(%arg8 : memref<80xi32, #tpu.memory_space<vmem>>)
        "tpu.region"() ({
          %run_scoped3A = tpu.sem_alloc : memref<!tpu.dma_semaphore, #tpu.memory_space<semaphore_mem>>
          %dma_start3A_69 = arith.constant 0 : i32
          %dma_start3A_70 = arith.constant 0 : i32
          %dma_start3A_71 = tpu.memref_slice %arg12[%dma_start3A_69, %dma_start3A_70] : memref<10112x128xf32, #tpu.memory_space<vmem_shared>> -> memref<10112x128xf32, #tpu.memory_space<vmem_shared>>
          tpu.enqueue_indirect_dma source(%arg10 : memref<80x128xf32, #tpu.memory_space<vmem>>) target(%dma_start3A_71 : memref<10112x128xf32, #tpu.memory_space<vmem_shared>>) offsets(%arg8 : memref<80xi32, #tpu.memory_space<vmem>>) semaphore(%run_scoped3A : memref<!tpu.dma_semaphore, #tpu.memory_space<semaphore_mem>>) {add = true}
          %dma_wait3A_72 = arith.constant 0 : i32
          %dma_wait3A_73 = arith.constant 0 : i32
          %dma_wait3A_74 = tpu.memref_slice %arg12[%dma_wait3A_72, %dma_wait3A_73] : memref<10112x128xf32, #tpu.memory_space<vmem_shared>> -> memref<10112x128xf32, #tpu.memory_space<vmem_shared>>
          tpu.wait_indirect_dma semaphore(%run_scoped3A : memref<!tpu.dma_semaphore, #tpu.memory_space<semaphore_mem>>) src(%arg10 : memref<80x128xf32, #tpu.memory_space<vmem>>) dst(%dma_wait3A_74 : memref<10112x128xf32, #tpu.memory_space<vmem_shared>>)
          tpu.yield
        }) : () -> ()
        %add3A_62 = arith.constant 2 : i32
        %add3A_63 = arith.addi %add3A_41, %add3A_62 : i32
        %lt3A_64 = arith.constant 125 : i32
        %lt3A_65 = arith.cmpi slt, %add3A_63, %lt3A_64 : i32
        %convert_element_type3A_66 = arith.extui %lt3A_65 : i1 to i32
        %cond3A_67 = arith.constant 0 : i32
        %cond3A_68 = arith.cmpi ne, %convert_element_type3A_66, %cond3A_67 : i32
        scf.if %cond3A_68 {
          %add3A_69 = arith.constant 2 : i32
          %add3A_70 = arith.addi %add3A_41, %add3A_69 : i32
          %dma_start3A_71 = arith.constant 0 : i32
          %dma_start3A_72 = tpu.memref_slice %arg4[%add3A, %add3A_70, %dma_start3A_71] : memref<32x125x80xi32, #tpu.memory_space<hbm>> -> memref<1x1x80xi32, #tpu.memory_space<hbm>>
          %dma_start3A_73 = tpu.memref_squeeze %dma_start3A_72 : memref<1x1x80xi32, #tpu.memory_space<hbm>> -> memref<80xi32, #tpu.memory_space<hbm>>
          %dma_start3A_74 = arith.constant 0 : i32
          %dma_start3A_75 = tpu.memref_slice %arg4[%add3A, %add3A_70, %dma_start3A_74] : memref<32x125x80xi32, #tpu.memory_space<hbm>> -> memref<1x1x80xi32, #tpu.memory_space<hbm>>
          %dma_start3A_76 = tpu.memref_squeeze %dma_start3A_75 : memref<1x1x80xi32, #tpu.memory_space<hbm>> -> memref<80xi32, #tpu.memory_space<hbm>>
          tpu.enqueue_dma source(%dma_start3A_76 : memref<80xi32, #tpu.memory_space<hbm>>) target(%arg8 : memref<80xi32, #tpu.memory_space<vmem>>) target_semaphore(%arg15 : memref<!tpu.dma_semaphore, #tpu.memory_space<semaphore_mem>>)
          %add3A_77 = arith.constant 2 : i32
          %add3A_78 = arith.addi %add3A_41, %add3A_77 : i32
          %dma_start3A_79 = arith.constant 0 : i32
          %dma_start3A_80 = tpu.memref_slice %arg7[%add3A_78, %dma_start3A_79] : memref<125x80xi32, #tpu.memory_space<vmem>> -> memref<1x80xi32, #tpu.memory_space<vmem>>
          %dma_start3A_81 = tpu.memref_squeeze %dma_start3A_80 : memref<1x80xi32, #tpu.memory_space<vmem>> -> memref<80xi32, #tpu.memory_space<vmem>>
          %dma_start3A_82 = arith.constant 0 : i32
          %dma_start3A_83 = arith.constant 0 : i32
          %dma_start3A_84 = tpu.memref_slice %arg2[%dma_start3A_82, %dma_start3A_83] : memref<10000x128xf32, #tpu.memory_space<hbm>> -> memref<10000x128xf32, #tpu.memory_space<hbm>>
          tpu.enqueue_indirect_dma source(%dma_start3A_84 : memref<10000x128xf32, #tpu.memory_space<hbm>>) target(%arg10 : memref<80x128xf32, #tpu.memory_space<vmem>>) offsets(%dma_start3A_81 : memref<80xi32, #tpu.memory_space<vmem>>) semaphore(%arg13 : memref<!tpu.dma_semaphore, #tpu.memory_space<semaphore_mem>>)
        } else {
        }
      } else {
      }
      %add3A_44 = arith.constant 1 : i32
      %add3A_45 = arith.addi %add3A_39, %add3A_44 : i32
      %lt3A_46 = arith.constant 125 : i32
      %lt3A_47 = arith.cmpi slt, %add3A_45, %lt3A_46 : i32
      %convert_element_type3A_48 = arith.extui %lt3A_47 : i1 to i32
      %cond3A_49 = arith.constant 0 : i32
      %cond3A_50 = arith.cmpi ne, %convert_element_type3A_48, %cond3A_49 : i32
      scf.if %cond3A_50 {
        %dma_wait3A = arith.constant 0 : i32
        %dma_wait3A_51 = tpu.memref_slice %arg7[%add3A_45, %dma_wait3A] : memref<125x80xi32, #tpu.memory_space<vmem>> -> memref<1x80xi32, #tpu.memory_space<vmem>>
        %dma_wait3A_52 = tpu.memref_squeeze %dma_wait3A_51 : memref<1x80xi32, #tpu.memory_space<vmem>> -> memref<80xi32, #tpu.memory_space<vmem>>
        %dma_wait3A_53 = arith.constant 0 : i32
        %dma_wait3A_54 = arith.constant 0 : i32
        %dma_wait3A_55 = tpu.memref_slice %arg2[%dma_wait3A_53, %dma_wait3A_54] : memref<10000x128xf32, #tpu.memory_space<hbm>> -> memref<10000x128xf32, #tpu.memory_space<hbm>>
        tpu.wait_indirect_dma semaphore(%arg14 : memref<!tpu.dma_semaphore, #tpu.memory_space<semaphore_mem>>) src(%dma_wait3A_55 : memref<10000x128xf32, #tpu.memory_space<hbm>>) dst(%arg11 : memref<80x128xf32, #tpu.memory_space<vmem>>)
        %dma_wait3A_56 = arith.constant 0 : i32
        %dma_wait3A_57 = tpu.memref_slice %arg4[%add3A, %add3A_45, %dma_wait3A_56] : memref<32x125x80xi32, #tpu.memory_space<hbm>> -> memref<1x1x80xi32, #tpu.memory_space<hbm>>
        %dma_wait3A_58 = tpu.memref_squeeze %dma_wait3A_57 : memref<1x1x80xi32, #tpu.memory_space<hbm>> -> memref<80xi32, #tpu.memory_space<hbm>>
        %dma_wait3A_59 = arith.constant 0 : i32
        %dma_wait3A_60 = tpu.memref_slice %arg4[%add3A, %add3A_45, %dma_wait3A_59] : memref<32x125x80xi32, #tpu.memory_space<hbm>> -> memref<1x1x80xi32, #tpu.memory_space<hbm>>
        %dma_wait3A_61 = tpu.memref_squeeze %dma_wait3A_60 : memref<1x1x80xi32, #tpu.memory_space<hbm>> -> memref<80xi32, #tpu.memory_space<hbm>>
        tpu.wait_dma2 semaphore(%arg16 : memref<!tpu.dma_semaphore, #tpu.memory_space<semaphore_mem>>) src(%dma_wait3A_61 : memref<80xi32, #tpu.memory_space<hbm>>) dst(%arg9 : memref<80xi32, #tpu.memory_space<vmem>>)
        "tpu.region"() ({
          %run_scoped3A = tpu.sem_alloc : memref<!tpu.dma_semaphore, #tpu.memory_space<semaphore_mem>>
          %dma_start3A_69 = arith.constant 0 : i32
          %dma_start3A_70 = arith.constant 0 : i32
          %dma_start3A_71 = tpu.memref_slice %arg12[%dma_start3A_69, %dma_start3A_70] : memref<10112x128xf32, #tpu.memory_space<vmem_shared>> -> memref<10112x128xf32, #tpu.memory_space<vmem_shared>>
          tpu.enqueue_indirect_dma source(%arg11 : memref<80x128xf32, #tpu.memory_space<vmem>>) target(%dma_start3A_71 : memref<10112x128xf32, #tpu.memory_space<vmem_shared>>) offsets(%arg9 : memref<80xi32, #tpu.memory_space<vmem>>) semaphore(%run_scoped3A : memref<!tpu.dma_semaphore, #tpu.memory_space<semaphore_mem>>) {add = true}
          %dma_wait3A_72 = arith.constant 0 : i32
          %dma_wait3A_73 = arith.constant 0 : i32
          %dma_wait3A_74 = tpu.memref_slice %arg12[%dma_wait3A_72, %dma_wait3A_73] : memref<10112x128xf32, #tpu.memory_space<vmem_shared>> -> memref<10112x128xf32, #tpu.memory_space<vmem_shared>>
          tpu.wait_indirect_dma semaphore(%run_scoped3A : memref<!tpu.dma_semaphore, #tpu.memory_space<semaphore_mem>>) src(%arg11 : memref<80x128xf32, #tpu.memory_space<vmem>>) dst(%dma_wait3A_74 : memref<10112x128xf32, #tpu.memory_space<vmem_shared>>)
          tpu.yield
        }) : () -> ()
        %add3A_62 = arith.constant 2 : i32
        %add3A_63 = arith.addi %add3A_45, %add3A_62 : i32
        %lt3A_64 = arith.constant 125 : i32
        %lt3A_65 = arith.cmpi slt, %add3A_63, %lt3A_64 : i32
        %convert_element_type3A_66 = arith.extui %lt3A_65 : i1 to i32
        %cond3A_67 = arith.constant 0 : i32
        %cond3A_68 = arith.cmpi ne, %convert_element_type3A_66, %cond3A_67 : i32
        scf.if %cond3A_68 {
          %add3A_69 = arith.constant 2 : i32
          %add3A_70 = arith.addi %add3A_45, %add3A_69 : i32
          %dma_start3A_71 = arith.constant 0 : i32
          %dma_start3A_72 = tpu.memref_slice %arg4[%add3A, %add3A_70, %dma_start3A_71] : memref<32x125x80xi32, #tpu.memory_space<hbm>> -> memref<1x1x80xi32, #tpu.memory_space<hbm>>
          %dma_start3A_73 = tpu.memref_squeeze %dma_start3A_72 : memref<1x1x80xi32, #tpu.memory_space<hbm>> -> memref<80xi32, #tpu.memory_space<hbm>>
          %dma_start3A_74 = arith.constant 0 : i32
          %dma_start3A_75 = tpu.memref_slice %arg4[%add3A, %add3A_70, %dma_start3A_74] : memref<32x125x80xi32, #tpu.memory_space<hbm>> -> memref<1x1x80xi32, #tpu.memory_space<hbm>>
          %dma_start3A_76 = tpu.memref_squeeze %dma_start3A_75 : memref<1x1x80xi32, #tpu.memory_space<hbm>> -> memref<80xi32, #tpu.memory_space<hbm>>
          tpu.enqueue_dma source(%dma_start3A_76 : memref<80xi32, #tpu.memory_space<hbm>>) target(%arg9 : memref<80xi32, #tpu.memory_space<vmem>>) target_semaphore(%arg16 : memref<!tpu.dma_semaphore, #tpu.memory_space<semaphore_mem>>)
          %add3A_77 = arith.constant 2 : i32
          %add3A_78 = arith.addi %add3A_45, %add3A_77 : i32
          %dma_start3A_79 = arith.constant 0 : i32
          %dma_start3A_80 = tpu.memref_slice %arg7[%add3A_78, %dma_start3A_79] : memref<125x80xi32, #tpu.memory_space<vmem>> -> memref<1x80xi32, #tpu.memory_space<vmem>>
          %dma_start3A_81 = tpu.memref_squeeze %dma_start3A_80 : memref<1x80xi32, #tpu.memory_space<vmem>> -> memref<80xi32, #tpu.memory_space<vmem>>
          %dma_start3A_82 = arith.constant 0 : i32
          %dma_start3A_83 = arith.constant 0 : i32
          %dma_start3A_84 = tpu.memref_slice %arg2[%dma_start3A_82, %dma_start3A_83] : memref<10000x128xf32, #tpu.memory_space<hbm>> -> memref<10000x128xf32, #tpu.memory_space<hbm>>
          tpu.enqueue_indirect_dma source(%dma_start3A_84 : memref<10000x128xf32, #tpu.memory_space<hbm>>) target(%arg11 : memref<80x128xf32, #tpu.memory_space<vmem>>) offsets(%dma_start3A_81 : memref<80xi32, #tpu.memory_space<vmem>>) semaphore(%arg14 : memref<!tpu.dma_semaphore, #tpu.memory_space<semaphore_mem>>)
        } else {
        }
      } else {
      }
    }
    %scan3A_33 = arith.constant 63 : i32
    %barrier3A_34 = arith.constant 0 : index
    tpu.barrier barrier_id(%barrier3A_34)
    "tpu.region"() ({
      %run_scoped3A = tpu.sem_alloc : memref<!tpu.dma_semaphore, #tpu.memory_space<semaphore_mem>>
      %dma_start3A_35 = arith.constant 0 : i32
      %dma_start3A_36 = tpu.memref_slice %arg6[%arg0, %mul3A_2, %dma_start3A_35] : memref<2x10112x128xf32, #tpu.memory_space<hbm>> -> memref<1x632x128xf32, #tpu.memory_space<hbm>>
      %dma_start3A_37 = tpu.memref_squeeze %dma_start3A_36 : memref<1x632x128xf32, #tpu.memory_space<hbm>> -> memref<632x128xf32, #tpu.memory_space<hbm>>
      %dma_start3A_38 = arith.constant 0 : i32
      %dma_start3A_39 = tpu.memref_slice %arg12[%mul3A_2, %dma_start3A_38] : memref<10112x128xf32, #tpu.memory_space<vmem_shared>> -> memref<632x128xf32, #tpu.memory_space<vmem_shared>>
      tpu.enqueue_dma source(%dma_start3A_39 : memref<632x128xf32, #tpu.memory_space<vmem_shared>>) target(%dma_start3A_37 : memref<632x128xf32, #tpu.memory_space<hbm>>) target_semaphore(%run_scoped3A : memref<!tpu.dma_semaphore, #tpu.memory_space<semaphore_mem>>)
      %dma_wait3A = arith.constant 0 : i32
      %dma_wait3A_40 = tpu.memref_slice %arg6[%arg0, %mul3A_2, %dma_wait3A] : memref<2x10112x128xf32, #tpu.memory_space<hbm>> -> memref<1x632x128xf32, #tpu.memory_space<hbm>>
      %dma_wait3A_41 = tpu.memref_squeeze %dma_wait3A_40 : memref<1x632x128xf32, #tpu.memory_space<hbm>> -> memref<632x128xf32, #tpu.memory_space<hbm>>
      %dma_wait3A_42 = arith.constant 0 : i32
      %dma_wait3A_43 = tpu.memref_slice %arg12[%mul3A_2, %dma_wait3A_42] : memref<10112x128xf32, #tpu.memory_space<vmem_shared>> -> memref<632x128xf32, #tpu.memory_space<vmem_shared>>
      tpu.wait_dma2 semaphore(%run_scoped3A : memref<!tpu.dma_semaphore, #tpu.memory_space<semaphore_mem>>) src(%dma_wait3A_43 : memref<632x128xf32, #tpu.memory_space<vmem_shared>>) dst(%dma_wait3A_41 : memref<632x128xf32, #tpu.memory_space<hbm>>)
      tpu.yield
    }) : () -> ()
    return
  }
}

#map = affine_map<(d0, d1) -> (0, 0)>
#map1 = affine_map<(d0, d1) -> (0, 0, 0)>
module attributes {stable_mosaic.version = 14 : i64} {
  func.func @agg_kernel(%arg0: i32, %arg1: i32, %arg2: memref<10000x128xf32, #tpu.memory_space<hbm>>, %arg3: memref<32x125x80xi32, #tpu.memory_space<hbm>>, %arg4: memref<32x125x80xi32, #tpu.memory_space<hbm>>, %arg5: memref<10112x128xf32, #tpu.memory_space<hbm>>, %arg6: memref<2x10112x128xf32, #tpu.memory_space<hbm>>, %arg7: memref<125x80xi32, #tpu.memory_space<vmem>>, %arg8: memref<80xi32, #tpu.memory_space<vmem>>, %arg9: memref<80xi32, #tpu.memory_space<vmem>>, %arg10: memref<80x128xf32, #tpu.memory_space<vmem>>, %arg11: memref<80x128xf32, #tpu.memory_space<vmem>>, %arg12: memref<10112x128xf32, #tpu.memory_space<vmem_shared>>, %arg13: memref<!tpu.dma_semaphore, #tpu.memory_space<semaphore_mem>>, %arg14: memref<!tpu.dma_semaphore, #tpu.memory_space<semaphore_mem>>, %arg15: memref<!tpu.dma_semaphore, #tpu.memory_space<semaphore_mem>>, %arg16: memref<!tpu.dma_semaphore, #tpu.memory_space<semaphore_mem>>) attributes {dimension_semantics = [#tpu.dimension_semantics<core_parallel>, #tpu.dimension_semantics<subcore_parallel>], iteration_bounds = array<i64: 2, 16>, scalar_prefetch = 0 : i64, scratch_operands = 10 : i64, tpu.core_type = #tpu.core_type<sc_vector_subcore>, window_params = [{transform_indices = #map}, {transform_indices = #map1}, {transform_indices = #map1}, {transform_indices = #map}, {transform_indices = #map1}]} {
    %mul3A = arith.constant 2 : i32
    %mul3A_0 = arith.muli %arg1, %mul3A : i32
    %add3A = arith.addi %mul3A_0, %arg0 : i32
    %mul3A_1 = arith.constant 632 : i32
    %mul3A_2 = arith.muli %arg1, %mul3A_1 : i32
    "tpu.region"() ({
      %run_scoped3A = tpu.sem_alloc : memref<!tpu.dma_semaphore, #tpu.memory_space<semaphore_mem>>
      %dma_start3A_35 = arith.constant 0 : i32
      %dma_start3A_36 = tpu.memref_slice %arg12[%mul3A_2, %dma_start3A_35] : memref<10112x128xf32, #tpu.memory_space<vmem_shared>> -> memref<632x128xf32, #tpu.memory_space<vmem_shared>>
      %dma_start3A_37 = arith.constant 0 : i32
      %dma_start3A_38 = tpu.memref_slice %arg5[%mul3A_2, %dma_start3A_37] : memref<10112x128xf32, #tpu.memory_space<hbm>> -> memref<632x128xf32, #tpu.memory_space<hbm>>
      tpu.enqueue_dma source(%dma_start3A_38 : memref<632x128xf32, #tpu.memory_space<hbm>>) target(%dma_start3A_36 : memref<632x128xf32, #tpu.memory_space<vmem_shared>>) target_semaphore(%run_scoped3A : memref<!tpu.dma_semaphore, #tpu.memory_space<semaphore_mem>>)
      %dma_wait3A = arith.constant 0 : i32
      %dma_wait3A_39 = tpu.memref_slice %arg12[%mul3A_2, %dma_wait3A] : memref<10112x128xf32, #tpu.memory_space<vmem_shared>> -> memref<632x128xf32, #tpu.memory_space<vmem_shared>>
      %dma_wait3A_40 = arith.constant 0 : i32
      %dma_wait3A_41 = tpu.memref_slice %arg5[%mul3A_2, %dma_wait3A_40] : memref<10112x128xf32, #tpu.memory_space<hbm>> -> memref<632x128xf32, #tpu.memory_space<hbm>>
      tpu.wait_dma2 semaphore(%run_scoped3A : memref<!tpu.dma_semaphore, #tpu.memory_space<semaphore_mem>>) src(%dma_wait3A_41 : memref<632x128xf32, #tpu.memory_space<hbm>>) dst(%dma_wait3A_39 : memref<632x128xf32, #tpu.memory_space<vmem_shared>>)
      tpu.yield
    }) : () -> ()
    "tpu.region"() ({
      %run_scoped3A = tpu.sem_alloc : memref<!tpu.dma_semaphore, #tpu.memory_space<semaphore_mem>>
      %dma_start3A_35 = arith.constant 0 : i32
      %dma_start3A_36 = arith.constant 0 : i32
      %dma_start3A_37 = tpu.memref_slice %arg3[%add3A, %dma_start3A_35, %dma_start3A_36] : memref<32x125x80xi32, #tpu.memory_space<hbm>> -> memref<1x125x80xi32, #tpu.memory_space<hbm>>
      %dma_start3A_38 = tpu.memref_squeeze %dma_start3A_37 : memref<1x125x80xi32, #tpu.memory_space<hbm>> -> memref<125x80xi32, #tpu.memory_space<hbm>>
      %dma_start3A_39 = arith.constant 0 : i32
      %dma_start3A_40 = arith.constant 0 : i32
      %dma_start3A_41 = tpu.memref_slice %arg3[%add3A, %dma_start3A_39, %dma_start3A_40] : memref<32x125x80xi32, #tpu.memory_space<hbm>> -> memref<1x125x80xi32, #tpu.memory_space<hbm>>
      %dma_start3A_42 = tpu.memref_squeeze %dma_start3A_41 : memref<1x125x80xi32, #tpu.memory_space<hbm>> -> memref<125x80xi32, #tpu.memory_space<hbm>>
      tpu.enqueue_dma source(%dma_start3A_42 : memref<125x80xi32, #tpu.memory_space<hbm>>) target(%arg7 : memref<125x80xi32, #tpu.memory_space<vmem>>) target_semaphore(%run_scoped3A : memref<!tpu.dma_semaphore, #tpu.memory_space<semaphore_mem>>)
      %dma_wait3A = arith.constant 0 : i32
      %dma_wait3A_43 = arith.constant 0 : i32
      %dma_wait3A_44 = tpu.memref_slice %arg3[%add3A, %dma_wait3A, %dma_wait3A_43] : memref<32x125x80xi32, #tpu.memory_space<hbm>> -> memref<1x125x80xi32, #tpu.memory_space<hbm>>
      %dma_wait3A_45 = tpu.memref_squeeze %dma_wait3A_44 : memref<1x125x80xi32, #tpu.memory_space<hbm>> -> memref<125x80xi32, #tpu.memory_space<hbm>>
      %dma_wait3A_46 = arith.constant 0 : i32
      %dma_wait3A_47 = arith.constant 0 : i32
      %dma_wait3A_48 = tpu.memref_slice %arg3[%add3A, %dma_wait3A_46, %dma_wait3A_47] : memref<32x125x80xi32, #tpu.memory_space<hbm>> -> memref<1x125x80xi32, #tpu.memory_space<hbm>>
      %dma_wait3A_49 = tpu.memref_squeeze %dma_wait3A_48 : memref<1x125x80xi32, #tpu.memory_space<hbm>> -> memref<125x80xi32, #tpu.memory_space<hbm>>
      tpu.wait_dma2 semaphore(%run_scoped3A : memref<!tpu.dma_semaphore, #tpu.memory_space<semaphore_mem>>) src(%dma_wait3A_49 : memref<125x80xi32, #tpu.memory_space<hbm>>) dst(%arg7 : memref<125x80xi32, #tpu.memory_space<vmem>>)
      tpu.yield
    }) : () -> ()
    %barrier3A = arith.constant 0 : index
    tpu.barrier barrier_id(%barrier3A)
    %dma_start3A = arith.constant 0 : i32
    %dma_start3A_3 = arith.constant 0 : i32
    %dma_start3A_4 = tpu.memref_slice %arg4[%add3A, %dma_start3A, %dma_start3A_3] : memref<32x125x80xi32, #tpu.memory_space<hbm>> -> memref<1x1x80xi32, #tpu.memory_space<hbm>>
    %dma_start3A_5 = tpu.memref_squeeze %dma_start3A_4 : memref<1x1x80xi32, #tpu.memory_space<hbm>> -> memref<80xi32, #tpu.memory_space<hbm>>
    %dma_start3A_6 = arith.constant 0 : i32
    %dma_start3A_7 = tpu.memref_slice %arg4[%add3A, %dma_start3A, %dma_start3A_6] : memref<32x125x80xi32, #tpu.memory_space<hbm>> -> memref<1x1x80xi32, #tpu.memory_space<hbm>>
    %dma_start3A_8 = tpu.memref_squeeze %dma_start3A_7 : memref<1x1x80xi32, #tpu.memory_space<hbm>> -> memref<80xi32, #tpu.memory_space<hbm>>
    tpu.enqueue_dma source(%dma_start3A_8 : memref<80xi32, #tpu.memory_space<hbm>>) target(%arg8 : memref<80xi32, #tpu.memory_space<vmem>>) target_semaphore(%arg15 : memref<!tpu.dma_semaphore, #tpu.memory_space<semaphore_mem>>)
    %dma_start3A_9 = arith.constant 0 : i32
    %dma_start3A_10 = arith.constant 0 : i32
    %dma_start3A_11 = tpu.memref_slice %arg7[%dma_start3A_9, %dma_start3A_10] : memref<125x80xi32, #tpu.memory_space<vmem>> -> memref<1x80xi32, #tpu.memory_space<vmem>>
    %dma_start3A_12 = tpu.memref_squeeze %dma_start3A_11 : memref<1x80xi32, #tpu.memory_space<vmem>> -> memref<80xi32, #tpu.memory_space<vmem>>
    %dma_start3A_13 = arith.constant 0 : i32
    %dma_start3A_14 = arith.constant 0 : i32
    %dma_start3A_15 = tpu.memref_slice %arg2[%dma_start3A_13, %dma_start3A_14] : memref<10000x128xf32, #tpu.memory_space<hbm>> -> memref<10000x128xf32, #tpu.memory_space<hbm>>
    tpu.enqueue_indirect_dma source(%dma_start3A_15 : memref<10000x128xf32, #tpu.memory_space<hbm>>) target(%arg10 : memref<80x128xf32, #tpu.memory_space<vmem>>) offsets(%dma_start3A_12 : memref<80xi32, #tpu.memory_space<vmem>>) semaphore(%arg13 : memref<!tpu.dma_semaphore, #tpu.memory_space<semaphore_mem>>)
    %dma_start3A_16 = arith.constant 1 : i32
    %dma_start3A_17 = arith.constant 0 : i32
    %dma_start3A_18 = tpu.memref_slice %arg4[%add3A, %dma_start3A_16, %dma_start3A_17] : memref<32x125x80xi32, #tpu.memory_space<hbm>> -> memref<1x1x80xi32, #tpu.memory_space<hbm>>
    %dma_start3A_19 = tpu.memref_squeeze %dma_start3A_18 : memref<1x1x80xi32, #tpu.memory_space<hbm>> -> memref<80xi32, #tpu.memory_space<hbm>>
    %dma_start3A_20 = arith.constant 0 : i32
    %dma_start3A_21 = tpu.memref_slice %arg4[%add3A, %dma_start3A_16, %dma_start3A_20] : memref<32x125x80xi32, #tpu.memory_space<hbm>> -> memref<1x1x80xi32, #tpu.memory_space<hbm>>
    %dma_start3A_22 = tpu.memref_squeeze %dma_start3A_21 : memref<1x1x80xi32, #tpu.memory_space<hbm>> -> memref<80xi32, #tpu.memory_space<hbm>>
    tpu.enqueue_dma source(%dma_start3A_22 : memref<80xi32, #tpu.memory_space<hbm>>) target(%arg9 : memref<80xi32, #tpu.memory_space<vmem>>) target_semaphore(%arg16 : memref<!tpu.dma_semaphore, #tpu.memory_space<semaphore_mem>>)
    %dma_start3A_23 = arith.constant 1 : i32
    %dma_start3A_24 = arith.constant 0 : i32
    %dma_start3A_25 = tpu.memref_slice %arg7[%dma_start3A_23, %dma_start3A_24] : memref<125x80xi32, #tpu.memory_space<vmem>> -> memref<1x80xi32, #tpu.memory_space<vmem>>
    %dma_start3A_26 = tpu.memref_squeeze %dma_start3A_25 : memref<1x80xi32, #tpu.memory_space<vmem>> -> memref<80xi32, #tpu.memory_space<vmem>>
    %dma_start3A_27 = arith.constant 0 : i32
    %dma_start3A_28 = arith.constant 0 : i32
    %dma_start3A_29 = tpu.memref_slice %arg2[%dma_start3A_27, %dma_start3A_28] : memref<10000x128xf32, #tpu.memory_space<hbm>> -> memref<10000x128xf32, #tpu.memory_space<hbm>>
    tpu.enqueue_indirect_dma source(%dma_start3A_29 : memref<10000x128xf32, #tpu.memory_space<hbm>>) target(%arg11 : memref<80x128xf32, #tpu.memory_space<vmem>>) offsets(%dma_start3A_26 : memref<80xi32, #tpu.memory_space<vmem>>) semaphore(%arg14 : memref<!tpu.dma_semaphore, #tpu.memory_space<semaphore_mem>>)
    %scan3A = arith.constant 0 : i32
    %scan3A_30 = arith.constant 63 : i32
    %scan3A_31 = arith.addi %scan3A, %scan3A_30 : i32
    %scan3A_32 = arith.constant 1 : i32
    scf.for %scan3A_35 = %scan3A to %scan3A_31 step %scan3A_32  : i32 {
      %mul3A_36 = arith.constant 2 : i32
      %mul3A_37 = arith.muli %scan3A_35, %mul3A_36 : i32
      %add3A_38 = arith.constant 0 : i32
      %add3A_39 = arith.addi %add3A_38, %mul3A_37 : i32
      %add3A_40 = arith.constant 0 : i32
      %add3A_41 = arith.addi %add3A_39, %add3A_40 : i32
      %lt3A = arith.constant 125 : i32
      %lt3A_42 = arith.cmpi slt, %add3A_41, %lt3A : i32
      %convert_element_type3A = arith.extui %lt3A_42 : i1 to i32
      %cond3A = arith.constant 0 : i32
      %cond3A_43 = arith.cmpi ne, %convert_element_type3A, %cond3A : i32
      scf.if %cond3A_43 {
        %dma_wait3A = arith.constant 0 : i32
        %dma_wait3A_51 = tpu.memref_slice %arg7[%add3A_41, %dma_wait3A] : memref<125x80xi32, #tpu.memory_space<vmem>> -> memref<1x80xi32, #tpu.memory_space<vmem>>
        %dma_wait3A_52 = tpu.memref_squeeze %dma_wait3A_51 : memref<1x80xi32, #tpu.memory_space<vmem>> -> memref<80xi32, #tpu.memory_space<vmem>>
        %dma_wait3A_53 = arith.constant 0 : i32
        %dma_wait3A_54 = arith.constant 0 : i32
        %dma_wait3A_55 = tpu.memref_slice %arg2[%dma_wait3A_53, %dma_wait3A_54] : memref<10000x128xf32, #tpu.memory_space<hbm>> -> memref<10000x128xf32, #tpu.memory_space<hbm>>
        tpu.wait_indirect_dma semaphore(%arg13 : memref<!tpu.dma_semaphore, #tpu.memory_space<semaphore_mem>>) src(%dma_wait3A_55 : memref<10000x128xf32, #tpu.memory_space<hbm>>) dst(%arg10 : memref<80x128xf32, #tpu.memory_space<vmem>>)
        %dma_wait3A_56 = arith.constant 0 : i32
        %dma_wait3A_57 = tpu.memref_slice %arg4[%add3A, %add3A_41, %dma_wait3A_56] : memref<32x125x80xi32, #tpu.memory_space<hbm>> -> memref<1x1x80xi32, #tpu.memory_space<hbm>>
        %dma_wait3A_58 = tpu.memref_squeeze %dma_wait3A_57 : memref<1x1x80xi32, #tpu.memory_space<hbm>> -> memref<80xi32, #tpu.memory_space<hbm>>
        %dma_wait3A_59 = arith.constant 0 : i32
        %dma_wait3A_60 = tpu.memref_slice %arg4[%add3A, %add3A_41, %dma_wait3A_59] : memref<32x125x80xi32, #tpu.memory_space<hbm>> -> memref<1x1x80xi32, #tpu.memory_space<hbm>>
        %dma_wait3A_61 = tpu.memref_squeeze %dma_wait3A_60 : memref<1x1x80xi32, #tpu.memory_space<hbm>> -> memref<80xi32, #tpu.memory_space<hbm>>
        tpu.wait_dma2 semaphore(%arg15 : memref<!tpu.dma_semaphore, #tpu.memory_space<semaphore_mem>>) src(%dma_wait3A_61 : memref<80xi32, #tpu.memory_space<hbm>>) dst(%arg8 : memref<80xi32, #tpu.memory_space<vmem>>)
        "tpu.region"() ({
          %run_scoped3A = tpu.sem_alloc : memref<!tpu.dma_semaphore, #tpu.memory_space<semaphore_mem>>
          %dma_start3A_69 = arith.constant 0 : i32
          %dma_start3A_70 = arith.constant 0 : i32
          %dma_start3A_71 = tpu.memref_slice %arg12[%dma_start3A_69, %dma_start3A_70] : memref<10112x128xf32, #tpu.memory_space<vmem_shared>> -> memref<10112x128xf32, #tpu.memory_space<vmem_shared>>
          tpu.enqueue_indirect_dma source(%arg10 : memref<80x128xf32, #tpu.memory_space<vmem>>) target(%dma_start3A_71 : memref<10112x128xf32, #tpu.memory_space<vmem_shared>>) offsets(%arg8 : memref<80xi32, #tpu.memory_space<vmem>>) semaphore(%run_scoped3A : memref<!tpu.dma_semaphore, #tpu.memory_space<semaphore_mem>>) {add = true}
          %dma_wait3A_72 = arith.constant 0 : i32
          %dma_wait3A_73 = arith.constant 0 : i32
          %dma_wait3A_74 = tpu.memref_slice %arg12[%dma_wait3A_72, %dma_wait3A_73] : memref<10112x128xf32, #tpu.memory_space<vmem_shared>> -> memref<10112x128xf32, #tpu.memory_space<vmem_shared>>
          tpu.wait_indirect_dma semaphore(%run_scoped3A : memref<!tpu.dma_semaphore, #tpu.memory_space<semaphore_mem>>) src(%arg10 : memref<80x128xf32, #tpu.memory_space<vmem>>) dst(%dma_wait3A_74 : memref<10112x128xf32, #tpu.memory_space<vmem_shared>>)
          tpu.yield
        }) : () -> ()
        %add3A_62 = arith.constant 2 : i32
        %add3A_63 = arith.addi %add3A_41, %add3A_62 : i32
        %lt3A_64 = arith.constant 125 : i32
        %lt3A_65 = arith.cmpi slt, %add3A_63, %lt3A_64 : i32
        %convert_element_type3A_66 = arith.extui %lt3A_65 : i1 to i32
        %cond3A_67 = arith.constant 0 : i32
        %cond3A_68 = arith.cmpi ne, %convert_element_type3A_66, %cond3A_67 : i32
        scf.if %cond3A_68 {
          %add3A_69 = arith.constant 2 : i32
          %add3A_70 = arith.addi %add3A_41, %add3A_69 : i32
          %dma_start3A_71 = arith.constant 0 : i32
          %dma_start3A_72 = tpu.memref_slice %arg4[%add3A, %add3A_70, %dma_start3A_71] : memref<32x125x80xi32, #tpu.memory_space<hbm>> -> memref<1x1x80xi32, #tpu.memory_space<hbm>>
          %dma_start3A_73 = tpu.memref_squeeze %dma_start3A_72 : memref<1x1x80xi32, #tpu.memory_space<hbm>> -> memref<80xi32, #tpu.memory_space<hbm>>
          %dma_start3A_74 = arith.constant 0 : i32
          %dma_start3A_75 = tpu.memref_slice %arg4[%add3A, %add3A_70, %dma_start3A_74] : memref<32x125x80xi32, #tpu.memory_space<hbm>> -> memref<1x1x80xi32, #tpu.memory_space<hbm>>
          %dma_start3A_76 = tpu.memref_squeeze %dma_start3A_75 : memref<1x1x80xi32, #tpu.memory_space<hbm>> -> memref<80xi32, #tpu.memory_space<hbm>>
          tpu.enqueue_dma source(%dma_start3A_76 : memref<80xi32, #tpu.memory_space<hbm>>) target(%arg8 : memref<80xi32, #tpu.memory_space<vmem>>) target_semaphore(%arg15 : memref<!tpu.dma_semaphore, #tpu.memory_space<semaphore_mem>>)
          %add3A_77 = arith.constant 2 : i32
          %add3A_78 = arith.addi %add3A_41, %add3A_77 : i32
          %dma_start3A_79 = arith.constant 0 : i32
          %dma_start3A_80 = tpu.memref_slice %arg7[%add3A_78, %dma_start3A_79] : memref<125x80xi32, #tpu.memory_space<vmem>> -> memref<1x80xi32, #tpu.memory_space<vmem>>
          %dma_start3A_81 = tpu.memref_squeeze %dma_start3A_80 : memref<1x80xi32, #tpu.memory_space<vmem>> -> memref<80xi32, #tpu.memory_space<vmem>>
          %dma_start3A_82 = arith.constant 0 : i32
          %dma_start3A_83 = arith.constant 0 : i32
          %dma_start3A_84 = tpu.memref_slice %arg2[%dma_start3A_82, %dma_start3A_83] : memref<10000x128xf32, #tpu.memory_space<hbm>> -> memref<10000x128xf32, #tpu.memory_space<hbm>>
          tpu.enqueue_indirect_dma source(%dma_start3A_84 : memref<10000x128xf32, #tpu.memory_space<hbm>>) target(%arg10 : memref<80x128xf32, #tpu.memory_space<vmem>>) offsets(%dma_start3A_81 : memref<80xi32, #tpu.memory_space<vmem>>) semaphore(%arg13 : memref<!tpu.dma_semaphore, #tpu.memory_space<semaphore_mem>>)
        } else {
        }
      } else {
      }
      %add3A_44 = arith.constant 1 : i32
      %add3A_45 = arith.addi %add3A_39, %add3A_44 : i32
      %lt3A_46 = arith.constant 125 : i32
      %lt3A_47 = arith.cmpi slt, %add3A_45, %lt3A_46 : i32
      %convert_element_type3A_48 = arith.extui %lt3A_47 : i1 to i32
      %cond3A_49 = arith.constant 0 : i32
      %cond3A_50 = arith.cmpi ne, %convert_element_type3A_48, %cond3A_49 : i32
      scf.if %cond3A_50 {
        %dma_wait3A = arith.constant 0 : i32
        %dma_wait3A_51 = tpu.memref_slice %arg7[%add3A_45, %dma_wait3A] : memref<125x80xi32, #tpu.memory_space<vmem>> -> memref<1x80xi32, #tpu.memory_space<vmem>>
        %dma_wait3A_52 = tpu.memref_squeeze %dma_wait3A_51 : memref<1x80xi32, #tpu.memory_space<vmem>> -> memref<80xi32, #tpu.memory_space<vmem>>
        %dma_wait3A_53 = arith.constant 0 : i32
        %dma_wait3A_54 = arith.constant 0 : i32
        %dma_wait3A_55 = tpu.memref_slice %arg2[%dma_wait3A_53, %dma_wait3A_54] : memref<10000x128xf32, #tpu.memory_space<hbm>> -> memref<10000x128xf32, #tpu.memory_space<hbm>>
        tpu.wait_indirect_dma semaphore(%arg14 : memref<!tpu.dma_semaphore, #tpu.memory_space<semaphore_mem>>) src(%dma_wait3A_55 : memref<10000x128xf32, #tpu.memory_space<hbm>>) dst(%arg11 : memref<80x128xf32, #tpu.memory_space<vmem>>)
        %dma_wait3A_56 = arith.constant 0 : i32
        %dma_wait3A_57 = tpu.memref_slice %arg4[%add3A, %add3A_45, %dma_wait3A_56] : memref<32x125x80xi32, #tpu.memory_space<hbm>> -> memref<1x1x80xi32, #tpu.memory_space<hbm>>
        %dma_wait3A_58 = tpu.memref_squeeze %dma_wait3A_57 : memref<1x1x80xi32, #tpu.memory_space<hbm>> -> memref<80xi32, #tpu.memory_space<hbm>>
        %dma_wait3A_59 = arith.constant 0 : i32
        %dma_wait3A_60 = tpu.memref_slice %arg4[%add3A, %add3A_45, %dma_wait3A_59] : memref<32x125x80xi32, #tpu.memory_space<hbm>> -> memref<1x1x80xi32, #tpu.memory_space<hbm>>
        %dma_wait3A_61 = tpu.memref_squeeze %dma_wait3A_60 : memref<1x1x80xi32, #tpu.memory_space<hbm>> -> memref<80xi32, #tpu.memory_space<hbm>>
        tpu.wait_dma2 semaphore(%arg16 : memref<!tpu.dma_semaphore, #tpu.memory_space<semaphore_mem>>) src(%dma_wait3A_61 : memref<80xi32, #tpu.memory_space<hbm>>) dst(%arg9 : memref<80xi32, #tpu.memory_space<vmem>>)
        "tpu.region"() ({
          %run_scoped3A = tpu.sem_alloc : memref<!tpu.dma_semaphore, #tpu.memory_space<semaphore_mem>>
          %dma_start3A_69 = arith.constant 0 : i32
          %dma_start3A_70 = arith.constant 0 : i32
          %dma_start3A_71 = tpu.memref_slice %arg12[%dma_start3A_69, %dma_start3A_70] : memref<10112x128xf32, #tpu.memory_space<vmem_shared>> -> memref<10112x128xf32, #tpu.memory_space<vmem_shared>>
          tpu.enqueue_indirect_dma source(%arg11 : memref<80x128xf32, #tpu.memory_space<vmem>>) target(%dma_start3A_71 : memref<10112x128xf32, #tpu.memory_space<vmem_shared>>) offsets(%arg9 : memref<80xi32, #tpu.memory_space<vmem>>) semaphore(%run_scoped3A : memref<!tpu.dma_semaphore, #tpu.memory_space<semaphore_mem>>) {add = true}
          %dma_wait3A_72 = arith.constant 0 : i32
          %dma_wait3A_73 = arith.constant 0 : i32
          %dma_wait3A_74 = tpu.memref_slice %arg12[%dma_wait3A_72, %dma_wait3A_73] : memref<10112x128xf32, #tpu.memory_space<vmem_shared>> -> memref<10112x128xf32, #tpu.memory_space<vmem_shared>>
          tpu.wait_indirect_dma semaphore(%run_scoped3A : memref<!tpu.dma_semaphore, #tpu.memory_space<semaphore_mem>>) src(%arg11 : memref<80x128xf32, #tpu.memory_space<vmem>>) dst(%dma_wait3A_74 : memref<10112x128xf32, #tpu.memory_space<vmem_shared>>)
          tpu.yield
        }) : () -> ()
        %add3A_62 = arith.constant 2 : i32
        %add3A_63 = arith.addi %add3A_45, %add3A_62 : i32
        %lt3A_64 = arith.constant 125 : i32
        %lt3A_65 = arith.cmpi slt, %add3A_63, %lt3A_64 : i32
        %convert_element_type3A_66 = arith.extui %lt3A_65 : i1 to i32
        %cond3A_67 = arith.constant 0 : i32
        %cond3A_68 = arith.cmpi ne, %convert_element_type3A_66, %cond3A_67 : i32
        scf.if %cond3A_68 {
          %add3A_69 = arith.constant 2 : i32
          %add3A_70 = arith.addi %add3A_45, %add3A_69 : i32
          %dma_start3A_71 = arith.constant 0 : i32
          %dma_start3A_72 = tpu.memref_slice %arg4[%add3A, %add3A_70, %dma_start3A_71] : memref<32x125x80xi32, #tpu.memory_space<hbm>> -> memref<1x1x80xi32, #tpu.memory_space<hbm>>
          %dma_start3A_73 = tpu.memref_squeeze %dma_start3A_72 : memref<1x1x80xi32, #tpu.memory_space<hbm>> -> memref<80xi32, #tpu.memory_space<hbm>>
          %dma_start3A_74 = arith.constant 0 : i32
          %dma_start3A_75 = tpu.memref_slice %arg4[%add3A, %add3A_70, %dma_start3A_74] : memref<32x125x80xi32, #tpu.memory_space<hbm>> -> memref<1x1x80xi32, #tpu.memory_space<hbm>>
          %dma_start3A_76 = tpu.memref_squeeze %dma_start3A_75 : memref<1x1x80xi32, #tpu.memory_space<hbm>> -> memref<80xi32, #tpu.memory_space<hbm>>
          tpu.enqueue_dma source(%dma_start3A_76 : memref<80xi32, #tpu.memory_space<hbm>>) target(%arg9 : memref<80xi32, #tpu.memory_space<vmem>>) target_semaphore(%arg16 : memref<!tpu.dma_semaphore, #tpu.memory_space<semaphore_mem>>)
          %add3A_77 = arith.constant 2 : i32
          %add3A_78 = arith.addi %add3A_45, %add3A_77 : i32
          %dma_start3A_79 = arith.constant 0 : i32
          %dma_start3A_80 = tpu.memref_slice %arg7[%add3A_78, %dma_start3A_79] : memref<125x80xi32, #tpu.memory_space<vmem>> -> memref<1x80xi32, #tpu.memory_space<vmem>>
          %dma_start3A_81 = tpu.memref_squeeze %dma_start3A_80 : memref<1x80xi32, #tpu.memory_space<vmem>> -> memref<80xi32, #tpu.memory_space<vmem>>
          %dma_start3A_82 = arith.constant 0 : i32
          %dma_start3A_83 = arith.constant 0 : i32
          %dma_start3A_84 = tpu.memref_slice %arg2[%dma_start3A_82, %dma_start3A_83] : memref<10000x128xf32, #tpu.memory_space<hbm>> -> memref<10000x128xf32, #tpu.memory_space<hbm>>
          tpu.enqueue_indirect_dma source(%dma_start3A_84 : memref<10000x128xf32, #tpu.memory_space<hbm>>) target(%arg11 : memref<80x128xf32, #tpu.memory_space<vmem>>) offsets(%dma_start3A_81 : memref<80xi32, #tpu.memory_space<vmem>>) semaphore(%arg14 : memref<!tpu.dma_semaphore, #tpu.memory_space<semaphore_mem>>)
        } else {
        }
      } else {
      }
    }
    %scan3A_33 = arith.constant 63 : i32
    %barrier3A_34 = arith.constant 0 : index
    tpu.barrier barrier_id(%barrier3A_34)
    "tpu.region"() ({
      %run_scoped3A = tpu.sem_alloc : memref<!tpu.dma_semaphore, #tpu.memory_space<semaphore_mem>>
      %dma_start3A_35 = arith.constant 0 : i32
      %dma_start3A_36 = tpu.memref_slice %arg6[%arg0, %mul3A_2, %dma_start3A_35] : memref<2x10112x128xf32, #tpu.memory_space<hbm>> -> memref<1x632x128xf32, #tpu.memory_space<hbm>>
      %dma_start3A_37 = tpu.memref_squeeze %dma_start3A_36 : memref<1x632x128xf32, #tpu.memory_space<hbm>> -> memref<632x128xf32, #tpu.memory_space<hbm>>
      %dma_start3A_38 = arith.constant 0 : i32
      %dma_start3A_39 = tpu.memref_slice %arg12[%mul3A_2, %dma_start3A_38] : memref<10112x128xf32, #tpu.memory_space<vmem_shared>> -> memref<632x128xf32, #tpu.memory_space<vmem_shared>>
      tpu.enqueue_dma source(%dma_start3A_39 : memref<632x128xf32, #tpu.memory_space<vmem_shared>>) target(%dma_start3A_37 : memref<632x128xf32, #tpu.memory_space<hbm>>) target_semaphore(%run_scoped3A : memref<!tpu.dma_semaphore, #tpu.memory_space<semaphore_mem>>)
      %dma_wait3A = arith.constant 0 : i32
      %dma_wait3A_40 = tpu.memref_slice %arg6[%arg0, %mul3A_2, %dma_wait3A] : memref<2x10112x128xf32, #tpu.memory_space<hbm>> -> memref<1x632x128xf32, #tpu.memory_space<hbm>>
      %dma_wait3A_41 = tpu.memref_squeeze %dma_wait3A_40 : memref<1x632x128xf32, #tpu.memory_space<hbm>> -> memref<632x128xf32, #tpu.memory_space<hbm>>
      %dma_wait3A_42 = arith.constant 0 : i32
      %dma_wait3A_43 = tpu.memref_slice %arg12[%mul3A_2, %dma_wait3A_42] : memref<10112x128xf32, #tpu.memory_space<vmem_shared>> -> memref<632x128xf32, #tpu.memory_space<vmem_shared>>
      tpu.wait_dma2 semaphore(%run_scoped3A : memref<!tpu.dma_semaphore, #tpu.memory_space<semaphore_mem>>) src(%dma_wait3A_43 : memref<632x128xf32, #tpu.memory_space<vmem_shared>>) dst(%dma_wait3A_41 : memref<632x128xf32, #tpu.memory_space<hbm>>)
      tpu.yield
    }) : () -> ()
    return
  }
}

module attributes {stable_mosaic.version = 14 : i64} {
  func.func @_tc_layer_body(%arg0: memref<2x10112x128xf32, #tpu.memory_space<vmem>>, %arg1: memref<2x10112x128xf32, #tpu.memory_space<vmem>>, %arg2: memref<10000x128xf32, #tpu.memory_space<vmem>>, %arg3: memref<128x128xf32, #tpu.memory_space<vmem>>, %arg4: memref<128x128xf32, #tpu.memory_space<vmem>>, %arg5: memref<1x128xf32, #tpu.memory_space<vmem>>, %arg6: memref<1x128xf32, #tpu.memory_space<vmem>>, %arg7: memref<1x128xf32, #tpu.memory_space<vmem>>, %arg8: memref<10000x128xf32, #tpu.memory_space<vmem>>) attributes {dimension_semantics = [], scalar_prefetch = 0 : i64, scratch_operands = 0 : i64, tpu.core_type = #tpu.core_type<tc>} {
    %get3A = arith.constant 0 : index
    %get3A_0 = arith.constant 0 : index
    %get3A_1 = arith.constant 0 : index
    %get3A_2 = vector.load %arg1[%get3A, %get3A_0, %get3A_1] : memref<2x10112x128xf32, #tpu.memory_space<vmem>>, vector<1x10000x1xf32>
    %get3A_3 = vector.shape_cast %get3A_2 : vector<1x10000x1xf32> to vector<10000x1xf32>
    %get3A_4 = arith.constant 1 : index
    %get3A_5 = arith.constant 0 : index
    %get3A_6 = arith.constant 0 : index
    %get3A_7 = vector.load %arg1[%get3A_4, %get3A_5, %get3A_6] : memref<2x10112x128xf32, #tpu.memory_space<vmem>>, vector<1x10000x1xf32>
    %get3A_8 = vector.shape_cast %get3A_7 : vector<1x10000x1xf32> to vector<10000x1xf32>
    %add3A = arith.addf %get3A_3, %get3A_8 : vector<10000x1xf32>
    %get3A_9 = arith.constant 0 : index
    %get3A_10 = arith.constant 0 : index
    %get3A_11 = arith.constant 0 : index
    %get3A_12 = vector.load %arg0[%get3A_9, %get3A_10, %get3A_11] : memref<2x10112x128xf32, #tpu.memory_space<vmem>>, vector<1x10000x128xf32>
    %get3A_13 = vector.shape_cast %get3A_12 : vector<1x10000x128xf32> to vector<10000x128xf32>
    %get3A_14 = arith.constant 1 : index
    %get3A_15 = arith.constant 0 : index
    %get3A_16 = arith.constant 0 : index
    %get3A_17 = vector.load %arg0[%get3A_14, %get3A_15, %get3A_16] : memref<2x10112x128xf32, #tpu.memory_space<vmem>>, vector<1x10000x128xf32>
    %get3A_18 = vector.shape_cast %get3A_17 : vector<1x10000x128xf32> to vector<10000x128xf32>
    %add3A_19 = arith.addf %get3A_13, %get3A_18 : vector<10000x128xf32>
    %max3A = arith.constant 1.000000e+00 : f32
    %max3A_20 = vector.broadcast %max3A : f32 to vector<10000x1xf32>
    %max3A_21 = arith.maximumf %add3A, %max3A_20 : vector<10000x1xf32>
    %div3A = vector.broadcast %max3A_21 : vector<10000x1xf32> to vector<10000x128xf32>
    %div3A_22 = arith.divf %add3A_19, %div3A : vector<10000x128xf32>
    %get3A_23 = arith.constant 0 : index
    %get3A_24 = arith.constant 0 : index
    %get3A_25 = vector.load %arg3[%get3A_23, %get3A_24] : memref<128x128xf32, #tpu.memory_space<vmem>>, vector<128x128xf32>
    %dot_general3A = arith.constant dense<0.000000e+00> : vector<10000x128xf32>
    %dot_general3A_26 = tpu.matmul %div3A_22, %get3A_25, %dot_general3A {dimension_numbers = #tpu.dot_dimension_numbers<[1], [0], [0], [1], [0, 0, 1, 1], [], []>, transpose_lhs_hint = false} : vector<10000x128xf32>, vector<128x128xf32>, vector<10000x128xf32> -> vector<10000x128xf32>
    %get3A_27 = arith.constant 0 : index
    %get3A_28 = arith.constant 0 : index
    %get3A_29 = vector.load %arg2[%get3A_27, %get3A_28] : memref<10000x128xf32, #tpu.memory_space<vmem>>, vector<10000x128xf32>
    %get3A_30 = arith.constant 0 : index
    %get3A_31 = arith.constant 0 : index
    %get3A_32 = vector.load %arg4[%get3A_30, %get3A_31] : memref<128x128xf32, #tpu.memory_space<vmem>>, vector<128x128xf32>
    %dot_general3A_33 = arith.constant dense<0.000000e+00> : vector<10000x128xf32>
    %dot_general3A_34 = tpu.matmul %get3A_29, %get3A_32, %dot_general3A_33 {dimension_numbers = #tpu.dot_dimension_numbers<[1], [0], [0], [1], [0, 0, 1, 1], [], []>, transpose_lhs_hint = false} : vector<10000x128xf32>, vector<128x128xf32>, vector<10000x128xf32> -> vector<10000x128xf32>
    %add3A_35 = arith.addf %dot_general3A_26, %dot_general3A_34 : vector<10000x128xf32>
    %get3A_36 = arith.constant 0 : index
    %get3A_37 = arith.constant 0 : index
    %get3A_38 = vector.load %arg5[%get3A_36, %get3A_37] : memref<1x128xf32, #tpu.memory_space<vmem>>, vector<1x128xf32>
    %add3A_39 = vector.broadcast %get3A_38 : vector<1x128xf32> to vector<10000x128xf32>
    %add3A_40 = arith.addf %add3A_35, %add3A_39 : vector<10000x128xf32>
    %swap3A = arith.constant 0 : index
    %swap3A_41 = arith.constant 0 : index
    %swap3A_42 = vector.load %arg8[%swap3A, %swap3A_41] : memref<10000x128xf32, #tpu.memory_space<vmem>>, vector<10000x128xf32>
    tpu.vector_store %arg8[%swap3A, %swap3A_41], %add3A_40 {strides = array<i32>} : memref<10000x128xf32, #tpu.memory_space<vmem>>, vector<10000x128xf32>,
    return
  }
}

module attributes {stable_mosaic.version = 14 : i64} {
  func.func @_tc_layer_body(%arg0: memref<2x10112x128xf32, #tpu.memory_space<vmem>>, %arg1: memref<2x10112x128xf32, #tpu.memory_space<vmem>>, %arg2: memref<10000x128xf32, #tpu.memory_space<vmem>>, %arg3: memref<128x128xf32, #tpu.memory_space<vmem>>, %arg4: memref<128x128xf32, #tpu.memory_space<vmem>>, %arg5: memref<1x128xf32, #tpu.memory_space<vmem>>, %arg6: memref<1x128xf32, #tpu.memory_space<vmem>>, %arg7: memref<1x128xf32, #tpu.memory_space<vmem>>, %arg8: memref<10000x128xf32, #tpu.memory_space<vmem>>) attributes {dimension_semantics = [], scalar_prefetch = 0 : i64, scratch_operands = 0 : i64, tpu.core_type = #tpu.core_type<tc>} {
    %get3A = arith.constant 0 : index
    %get3A_0 = arith.constant 0 : index
    %get3A_1 = arith.constant 0 : index
    %get3A_2 = vector.load %arg1[%get3A, %get3A_0, %get3A_1] : memref<2x10112x128xf32, #tpu.memory_space<vmem>>, vector<1x10000x1xf32>
    %get3A_3 = vector.shape_cast %get3A_2 : vector<1x10000x1xf32> to vector<10000x1xf32>
    %get3A_4 = arith.constant 1 : index
    %get3A_5 = arith.constant 0 : index
    %get3A_6 = arith.constant 0 : index
    %get3A_7 = vector.load %arg1[%get3A_4, %get3A_5, %get3A_6] : memref<2x10112x128xf32, #tpu.memory_space<vmem>>, vector<1x10000x1xf32>
    %get3A_8 = vector.shape_cast %get3A_7 : vector<1x10000x1xf32> to vector<10000x1xf32>
    %add3A = arith.addf %get3A_3, %get3A_8 : vector<10000x1xf32>
    %get3A_9 = arith.constant 0 : index
    %get3A_10 = arith.constant 0 : index
    %get3A_11 = arith.constant 0 : index
    %get3A_12 = vector.load %arg0[%get3A_9, %get3A_10, %get3A_11] : memref<2x10112x128xf32, #tpu.memory_space<vmem>>, vector<1x10000x128xf32>
    %get3A_13 = vector.shape_cast %get3A_12 : vector<1x10000x128xf32> to vector<10000x128xf32>
    %get3A_14 = arith.constant 1 : index
    %get3A_15 = arith.constant 0 : index
    %get3A_16 = arith.constant 0 : index
    %get3A_17 = vector.load %arg0[%get3A_14, %get3A_15, %get3A_16] : memref<2x10112x128xf32, #tpu.memory_space<vmem>>, vector<1x10000x128xf32>
    %get3A_18 = vector.shape_cast %get3A_17 : vector<1x10000x128xf32> to vector<10000x128xf32>
    %add3A_19 = arith.addf %get3A_13, %get3A_18 : vector<10000x128xf32>
    %max3A = arith.constant 1.000000e+00 : f32
    %max3A_20 = vector.broadcast %max3A : f32 to vector<10000x1xf32>
    %max3A_21 = arith.maximumf %add3A, %max3A_20 : vector<10000x1xf32>
    %div3A = vector.broadcast %max3A_21 : vector<10000x1xf32> to vector<10000x128xf32>
    %div3A_22 = arith.divf %add3A_19, %div3A : vector<10000x128xf32>
    %get3A_23 = arith.constant 0 : index
    %get3A_24 = arith.constant 0 : index
    %get3A_25 = vector.load %arg3[%get3A_23, %get3A_24] : memref<128x128xf32, #tpu.memory_space<vmem>>, vector<128x128xf32>
    %dot_general3A = arith.constant dense<0.000000e+00> : vector<10000x128xf32>
    %dot_general3A_26 = tpu.matmul %div3A_22, %get3A_25, %dot_general3A {dimension_numbers = #tpu.dot_dimension_numbers<[1], [0], [0], [1], [0, 0, 1, 1], [], []>, transpose_lhs_hint = false} : vector<10000x128xf32>, vector<128x128xf32>, vector<10000x128xf32> -> vector<10000x128xf32>
    %get3A_27 = arith.constant 0 : index
    %get3A_28 = arith.constant 0 : index
    %get3A_29 = vector.load %arg2[%get3A_27, %get3A_28] : memref<10000x128xf32, #tpu.memory_space<vmem>>, vector<10000x128xf32>
    %get3A_30 = arith.constant 0 : index
    %get3A_31 = arith.constant 0 : index
    %get3A_32 = vector.load %arg4[%get3A_30, %get3A_31] : memref<128x128xf32, #tpu.memory_space<vmem>>, vector<128x128xf32>
    %dot_general3A_33 = arith.constant dense<0.000000e+00> : vector<10000x128xf32>
    %dot_general3A_34 = tpu.matmul %get3A_29, %get3A_32, %dot_general3A_33 {dimension_numbers = #tpu.dot_dimension_numbers<[1], [0], [0], [1], [0, 0, 1, 1], [], []>, transpose_lhs_hint = false} : vector<10000x128xf32>, vector<128x128xf32>, vector<10000x128xf32> -> vector<10000x128xf32>
    %add3A_35 = arith.addf %dot_general3A_26, %dot_general3A_34 : vector<10000x128xf32>
    %get3A_36 = arith.constant 0 : index
    %get3A_37 = arith.constant 0 : index
    %get3A_38 = vector.load %arg5[%get3A_36, %get3A_37] : memref<1x128xf32, #tpu.memory_space<vmem>>, vector<1x128xf32>
    %add3A_39 = vector.broadcast %get3A_38 : vector<1x128xf32> to vector<10000x128xf32>
    %add3A_40 = arith.addf %add3A_35, %add3A_39 : vector<10000x128xf32>
    %reduce_sum3A = arith.constant dense<0.000000e+00> : vector<128xf32>
    %reduce_sum3A_41 = vector.multi_reduction <add>, %add3A_40, %reduce_sum3A [0] : vector<10000x128xf32> to vector<128xf32>
    %broadcast_in_dim3A = vector.shape_cast %reduce_sum3A_41 : vector<128xf32> to vector<1x128xf32>
    %div3A_42 = arith.constant 1.000000e+04 : f32
    %div3A_43 = vector.broadcast %div3A_42 : f32 to vector<1x128xf32>
    %div3A_44 = arith.divf %broadcast_in_dim3A, %div3A_43 : vector<1x128xf32>
    %sub3A = vector.broadcast %div3A_44 : vector<1x128xf32> to vector<10000x128xf32>
    %sub3A_45 = arith.subf %add3A_40, %sub3A : vector<10000x128xf32>
    %integer_pow3A = arith.mulf %sub3A_45, %sub3A_45 : vector<10000x128xf32>
    %reduce_sum3A_46 = arith.constant dense<0.000000e+00> : vector<128xf32>
    %reduce_sum3A_47 = vector.multi_reduction <add>, %integer_pow3A, %reduce_sum3A_46 [0] : vector<10000x128xf32> to vector<128xf32>
    %broadcast_in_dim3A_48 = vector.shape_cast %reduce_sum3A_47 : vector<128xf32> to vector<1x128xf32>
    %div3A_49 = arith.constant 1.000000e+04 : f32
    %div3A_50 = vector.broadcast %div3A_49 : f32 to vector<1x128xf32>
    %div3A_51 = arith.divf %broadcast_in_dim3A_48, %div3A_50 : vector<1x128xf32>
    %sub3A_52 = vector.broadcast %div3A_44 : vector<1x128xf32> to vector<10000x128xf32>
    %sub3A_53 = arith.subf %add3A_40, %sub3A_52 : vector<10000x128xf32>
    %add3A_54 = arith.constant 9.99999974E-6 : f32
    %add3A_55 = vector.broadcast %add3A_54 : f32 to vector<1x128xf32>
    %add3A_56 = arith.addf %div3A_51, %add3A_55 : vector<1x128xf32>
    %rsqrt3A = math.rsqrt %add3A_56 : vector<1x128xf32>
    %mul3A = vector.broadcast %rsqrt3A : vector<1x128xf32> to vector<10000x128xf32>
    %mul3A_57 = arith.mulf %sub3A_53, %mul3A : vector<10000x128xf32>
    %get3A_58 = arith.constant 0 : index
    %get3A_59 = arith.constant 0 : index
    %get3A_60 = vector.load %arg6[%get3A_58, %get3A_59] : memref<1x128xf32, #tpu.memory_space<vmem>>, vector<1x128xf32>
    %mul3A_61 = vector.broadcast %get3A_60 : vector<1x128xf32> to vector<10000x128xf32>
    %mul3A_62 = arith.mulf %mul3A_57, %mul3A_61 : vector<10000x128xf32>
    %get3A_63 = arith.constant 0 : index
    %get3A_64 = arith.constant 0 : index
    %get3A_65 = vector.load %arg7[%get3A_63, %get3A_64] : memref<1x128xf32, #tpu.memory_space<vmem>>, vector<1x128xf32>
    %add3A_66 = vector.broadcast %get3A_65 : vector<1x128xf32> to vector<10000x128xf32>
    %add3A_67 = arith.addf %mul3A_62, %add3A_66 : vector<10000x128xf32>
    %max3A_68 = arith.constant 0.000000e+00 : f32
    %max3A_69 = vector.broadcast %max3A_68 : f32 to vector<10000x128xf32>
    %max3A_70 = arith.maximumf %add3A_67, %max3A_69 : vector<10000x128xf32>
    %swap3A = arith.constant 0 : index
    %swap3A_71 = arith.constant 0 : index
    %swap3A_72 = vector.load %arg8[%swap3A, %swap3A_71] : memref<10000x128xf32, #tpu.memory_space<vmem>>, vector<10000x128xf32>
    tpu.vector_store %arg8[%swap3A, %swap3A_71], %max3A_70 {strides = array<i32>} : memref<10000x128xf32, #tpu.memory_space<vmem>>, vector<10000x128xf32>,
    return
  }
}

</mosaic_0001>

<sc_bundles>
// kernel: kernel.12.cloned.1.call-start
scs
__scs_entry_jumppad:
0x0: {  	(pc) =	sbr.rel $0x88, $3  }
0x1: {  	(tag) =	ssettag $0x0;
	lr =	simm.s32 $0x1  }
0x2: {  	[smem:$0x3F92] =	sst lr;
	_ =	strace $0xD0000000  }
0x3: {  	_ = 	snop  }
0x4: {  	_ = 	snop  }
0x5: {  	_ = 	snop  }
0x6: {  	_ = 	snop  }
0x7: {  	_ = 	snop  }
__scs_overlays_trampoline_lowered:
0x8: {  	[smem:$0x3FA1] =	sst s0  }
0x9: {  	[smem:$0x3FA2] =	sst s1  }
0xa: {  	[smem:$0x3FA3] =	sst s2  }
0xb: {  	[smem:$0x3FA4] =	sst s3  }
0xc: {  	[smem:$0x3FA5] =	sst s4  }
0xd: {  	[smem:$0x3FA6] =	sst s5  }
0xe: {  	[smem:$0x3FA7] =	sst s6  }
0xf: {  	[smem:$0x3FA8] =	sst s7  }
0x10: {  	[smem:$0x3FA9] =	sst s8  }
0x11: {  	[smem:$0x3FAA] =	sst s9;
	s0 =	simm.s32 @!p0 $0x0  }
0x12: {  	s1 =	sld [smem:$0x3F90];
	s0 =	simm.s32 @p0 $0x1  }
0x13: {  	[smem:$0x3FAB] =	sst s0;
	s0 =	simm.s32 @!p1 $0x0  }
0x14: {  	s2 =	sld [smem:$0x3F8F];
	s0 =	simm.s32 @p1 $0x1  }
0x15: {  	[smem:$0x3FAC] =	sst s0;
	s0 =	simm.s32 @!p2 $0x0  }
0x16: {  	s3 =	sld [smem:$0x3FDB];
	s0 =	simm.s32 @p2 $0x1  }
0x17: {  	s4 =	simm.s32 $0x1BF5;
	[smem:$0x3FAE] =	sst s0  }
0x18: {  	s0 =	sld [smem:$0x3F91];
	_ =	swait.ge [sflag:s4], $0x0  }
0x19: {  	s7 =	sld [smem:$0x3F92]  }
0x1a: {  	s8 =	sadd.s32 $0xFFFFE003, lr  }
0x1b: {  	s9 =	sadd.s32 $0xFFFFFEF7, lr;
	s5 =	simm.s32 $0xFFFFFFFF;
	p2 =	slt.u32 s8, $0xFFFFF086  }
0x1c: {  	p1 =	slt.u32 s9, $0xF7A;
	s5 =	simm.s32 @!p2 $0x0  }
0x1d: {  	s5 =	simm.s32 @p1 $0x1;
	p0 =	seq.s32 s7, s2  }
0x1e: {  	s7 =	smul.u32 @!p0 $0xF7A, s2;
	p2 =	seq.s32 @!p0 s5, $0x0  }
0x1f: {  	s9 =	smul.u32 $0xF7A, s1;
	s8 =	simm.s32 @!p0 $0x1BF5;
	p2 =	por !p2, p0  }
0x20: {  	[sflag:s8] =	ssyncset.s32 @!p0 $0xFFFFF086;
	s6 =	sadd.s32 @!p0 s3, s7;
	s7 =	simm.s32 @!p0 $0x108  }
0x21: {  	s3 =	sadd.s32 s3, s9;
	s6 =	sadd.s32 @!p0 $0x88, s6;
	s7 =	simm.s32 @p2 $0x1082  }
0x22: {  	[simem:s7], [sflag:s8] =	dma.local @!p0 [hbm:s6], $0xF7A  }
0x23: {  	s9 =	sor.u32 $0xD0000000, s2;
	s6 =	simm.s32 $0x108;
	_ =	swait.ge @!p0 [sflag:s8], $0x0  }
0x24: {  	s3 =	sadd.s32 $0x88, s3;
	s6 =	simm.s32 @!p1 $0x1082;
	[sflag:s4] =	ssyncset.s32 $0xFFFFF086  }
0x25: {  	[simem:s6], [sflag:s4] =	dma.local [hbm:s3], $0xF7A  }
0x26: {  	[smem:$0x3F92] =	sst s1;
	(tag) =	ssettag s2;
	_ =	strace s9  }
0x27: {  	s1 =	sld [smem:$0x3FA2]  }
0x28: {  	s2 =	sld [smem:$0x3FA3]  }
0x29: {  	s4 =	sld [smem:$0x3FA5]  }
0x2a: {  	p0 =	seq.s32 s5, $0x0;
	s5 =	sld [smem:$0x3FA6]  }
0x2b: {  	s6 =	sld [smem:$0x3FA7]  }
0x2c: {  	s7 =	sld [smem:$0x3FA8]  }
0x2d: {  	s3 =	simm.s32 $0x108;
	s8 =	sld [smem:$0x3FA9]  }
0x2e: {  	s3 =	simm.s32 @!p0 $0x1082;
	s9 =	sld [smem:$0x3FAA]  }
0x2f: {  	lr =	sadd.s32 s0, s3;
	s0 =	sld [smem:$0x3FA1]  }
0x30: {  	s3 =	sld [smem:$0x3FA4]  }
0x31: {  	[smem:$0x3FAD] =	sst s10  }
0x32: {  	s10 =	sld [smem:$0x3FAB];
	_ =	sdelay $0x3  }
0x33: {  	p0 =	seq.s32 s10, $0x1;
	s10 =	sld [smem:$0x3FAD];
	_ =	sdelay $0x3  }
0x34: {  	[smem:$0x3FAD] =	sst s10  }
0x35: {  	s10 =	sld [smem:$0x3FAC];
	_ =	sdelay $0x3  }
0x36: {  	p1 =	seq.s32 s10, $0x1;
	s10 =	sld [smem:$0x3FAD];
	_ =	sdelay $0x3  }
0x37: {  	[smem:$0x3FAD] =	sst s10  }
0x38: {  	s10 =	sld [smem:$0x3FAE]  }
0x39: {  	_ = 	snop;
	(pc) =	sbr.ind lr, $3  }
0x3a: {  	_ = 	snop  }
0x3b: {  	_ = 	snop  }
0x3c: {  	p2 =	seq.s32 s10, $0x1;
	s10 =	sld [smem:$0x3FAD]  }
0x3d: {  	_ =	shalt  }
0x3e: {  	_ =	shalt  }
0x3f: {  	_ =	shalt  }
0x40: {  	_ =	shalt  }
0x41: {  	_ =	shalt  }
0x42: {  	_ =	shalt  }
0x43: {  	_ =	shalt  }
0x44: {  	_ =	shalt  }
0x45: {  	_ =	shalt  }
0x46: {  	_ =	shalt  }
0x47: {  	_ =	shalt  }
0x48: {  	_ =	shalt  }
0x49: {  	_ =	shalt  }
0x4a: {  	_ =	shalt  }
0x4b: {  	_ =	shalt  }
0x4c: {  	_ =	shalt  }
0x4d: {  	_ =	shalt  }
0x4e: {  	_ =	shalt  }
0x4f: {  	_ =	shalt  }
0x50: {  	_ =	shalt  }
0x51: {  	_ =	shalt  }
0x52: {  	_ =	shalt  }
0x53: {  	_ =	shalt  }
0x54: {  	_ =	shalt  }
0x55: {  	_ =	shalt  }
0x56: {  	_ =	shalt  }
0x57: {  	_ =	shalt  }
0x58: {  	_ =	shalt  }
0x59: {  	_ =	shalt  }
0x5a: {  	_ =	shalt  }
0x5b: {  	_ =	shalt  }
0x5c: {  	_ =	shalt  }
0x5d: {  	_ =	shalt  }
0x5e: {  	_ =	shalt  }
0x5f: {  	_ =	shalt  }
0x60: {  	_ =	shalt  }
0x61: {  	_ =	shalt  }
0x62: {  	_ =	shalt  }
0x63: {  	_ =	shalt  }
0x64: {  	_ =	shalt  }
0x65: {  	_ =	shalt  }
0x66: {  	_ =	shalt  }
0x67: {  	_ =	shalt  }
0x68: {  	_ =	shalt  }
0x69: {  	_ =	shalt  }
0x6a: {  	_ =	shalt  }
0x6b: {  	_ =	shalt  }
0x6c: {  	_ =	shalt  }
0x6d: {  	_ =	shalt  }
0x6e: {  	_ =	shalt  }
0x6f: {  	_ =	shalt  }
0x70: {  	_ =	shalt  }
0x71: {  	_ =	shalt  }
0x72: {  	_ =	shalt  }
0x73: {  	_ =	shalt  }
0x74: {  	_ =	shalt  }
0x75: {  	_ =	shalt  }
0x76: {  	_ =	shalt  }
0x77: {  	_ =	shalt  }
0x78: {  	_ =	shalt  }
0x79: {  	_ =	shalt  }
0x7a: {  	_ =	shalt  }
0x7b: {  	_ =	shalt  }
0x7c: {  	_ =	shalt  }
0x7d: {  	_ =	shalt  }
0x7e: {  	_ =	shalt  }
0x7f: {  	_ =	shalt  }
0x80: {  	_ =	shalt  }
0x81: {  	_ =	shalt  }
0x82: {  	_ =	shalt  }
0x83: {  	_ =	shalt  }
0x84: {  	_ =	shalt  }
0x85: {  	_ =	shalt  }
0x86: {  	_ =	shalt  }
0x87: {  	_ =	shalt  }
.Lfunc_end0:
.L_simem_size_0:
called_computation.1_lowered:
.L_overlay_start_0:
0x88: {  	s2 =	sld [smem:$0x3FD9]  }
0x89: {  	s3 =	sld [smem:$0x3FFE];
	_ =	sdelay $0x1  }
0x8a: {  	s1 =	srdreg.scid  }
0x8b: {  	s0 =	sand.u32 $0x1, s1  }
0x8c: {  	s17 =	sshll.u32 s0, $0xA;
	s2 =	sadd.s32 s3, s2  }
0x8d: {  	s2 =	sadd.s32 s2, s17  }
0x8e: {  	[smem:$0x3FB9] =	sst s2  }
0x8f: {  	_ = 	snop  }
0x90: {  	s18 =	sld [smem:$0x3FC9];
	(tm) =	ssettm $0x1  }
0x91: {  	s19 =	sld [smem:$0x3FFB];
	_ =	sdelay $0x3  }
0x92: {  	_ =	strace s19  }
0x93: {  	s2 =	sld [smem:$0x3FFC];
	_ =	sdelay $0x3  }
0x94: {  	_ =	strace s2  }
0x95: {  	s2 =	sld [smem:$0x3FFD];
	_ =	sdelay $0x3  }
0x96: {  	_ =	strace s2  }
0x97: {  	_ =	strace $0x8FFFFFFF  }
0x98: {  	s20 =	sld [smem:$0x3FDB];
	_ =	sdelay $0x1  }
0x99: {  	s4 =	simm.s32 $_scs_section_size  }
0x9a: {  	s5 =	simm.s32 $_size__tile_overlayer_lowered;
	s6 =	simm.s32 $_tile_overlayer_lowered  }
0x9b: {  	s7 =	simm.s32 $0x1BFF;
	s21 =	sshll.u32 s6, $0x1;
	s4 =	sadd.s32 s4, s20  }
0x9c: {  	s22 =	simm.s32 $0x0;
	s5 =	sshll.u32 s5, $0x1;
	s6 =	sadd.s32 s21, s4  }
0x9d: {  	[timem:s22], [sflag:s7] =	dma.local [hbm:s6], s5  }
0x9e: {  	_ =	swait.ge [sflag:s7], s5  }
0x9f: {  	s5 =	ssub.s32 $0x0, s5;
	[sflag:s7] =	ssyncset.done $0x0  }
0xa0: {  	[sflag:s7] =	ssyncadd.s32 s5;
	_ =	sdelay $0x1  }
0xa1: {  	s23 =	simm.s32 $0x1B8B  }
0xa2: {  	_ =	swait.ge [sflag:s23], $0x1  }
0xa3: {  	[sflag:s23] =	ssyncset.done $0x0  }
0xa4: {  	[sflag:s23] =	ssyncadd.s32 $0xFFFFFFFF  }
0xa5: {  	s5 =	sld [smem:$0x0]  }
0xa6: {  	s6 =	sand.u32 $0xFFFFFFFE, s1  }
0xa7: {  	p0 =	sne.s32 s1, s6  }
0xa8: {  	s6 =	sshll.u32 @p0 s6, $0xE  }
0xa9: {  	s6 =	sadd.s32 @p0 $0x11B8D, s6;
	s7 =	sshll.u32 @p0 s5, $0x11  }
0xaa: {  	s6 =	sor.u32 @p0 s7, s6  }
0xab: {  	[sflag:s6] =	ssyncadd.remote.s32 @p0 $0x1;
	_ =	sdelay $0x1  }
0xac: {  	s6 =	simm.s32 @p0 $0x1B8D  }
0xad: {  	_ =	swait.eq @p0 [sflag:s6], $0x1  }
0xae: {  	[sflag:s6] =	ssyncadd.s32 @p0 $0xFFFFFFFF  }
0xaf: {  	s7 =	sshll.u32 @!p0 s1, $0xE  }
0xb0: {  	s7 =	sor.u32 @!p0 $0x4000, s7;
	s6 =	simm.s32 @!p0 $0x1B8D  }
0xb1: {  	s5 =	sshll.u32 @!p0 s5, $0x11;
	s7 =	sadd.s32 @!p0 $0x11B8D, s7;
	_ =	swait.eq @!p0 [sflag:s6], $0x1  }
0xb2: {  	s5 =	sor.u32 @!p0 s5, s7;
	[sflag:s6] =	ssyncadd.s32 @!p0 $0xFFFFFFFF  }
0xb3: {  	s25 =	simm.s32 $0x1B8E;
	s24 =	sld [smem:$0x3FFE];
	[sflag:s5] =	ssyncadd.remote.s32 @!p0 $0x1  }
0xb4: {  	s26 =	simm.s32 $execute0_lowered;
	[smem:$0x3FD2] =	sst s25  }
0xb5: {  	s6 =	sshll.u32 s26, $0x1;
	_ =	strace $0x80000049;
	[dreg:$0x1] =	wrdreg $0xFFFFFFFF  }
0xb6: {  	s28 =	simm.s32 $_size_execute0_lowered;
	s4 =	sadd.s32 s4, s6;
	[dreg:$0x0] =	wrdreg $0x0  }
0xb7: {  	s6 =	sshll.u32 s28, $0x1;
	[dreg:$0x2] =	wrdreg s4  }
0xb8: {  	[dreg:$0x3] =	wrdreg s6  }
0xb9: {  	[dreg:$0x4] =	wrdreg $0xC0  }
0xba: {  	_ =	task [dreg:s22], $0x5FFFF  }
0xbb: {  	[dreg:$0x1] =	wrdreg $0xFFFFFFFF  }
0xbc: {  	[dreg:$0x0] =	wrdreg $0x60  }
0xbd: {  	[dreg:$0x2] =	wrdreg s18  }
0xbe: {  	[dreg:$0x3] =	wrdreg s24  }
0xbf: {  	[dreg:$0x4] =	wrdreg $0x91000  }
0xc0: {  	[dreg:$0x5] =	wrdreg $0xA  }
0xc1: {  	_ =	task.clear_ibuf [dreg:s22], $0x6FFFF;
	_ =	strace $0x90000049  }
0xc2: {  	s29 =	simm.s32 $0xA;
	_ =	strace $0x8000004B  }
0xc3: {  	_ =	swait.ge [sflag:s29], $0x1  }
0xc4: {  	[sflag:s29] =	ssyncadd.s32 $0xFFFFFFFF  }
0xc5: {  	_ =	strace $0x9000004B  }
0xc6: {  	_ =	sfence  }
0xc7: {  	s30 =	sld [smem:$0x0];
	_ =	sdelay $0x2  }
0xc8: {  	s31 =	sshll.u32 s1, $0xD;
	s1 =	sshrl.u32 s1, $0x2  }
0xc9: {  	s4 =	sand.u32 $0x4000, s31;
	s1 =	sadd.s32 s1, s30  }
0xca: {  	s0 =	sor.u32 s4, s0;
	s1 =	sshll.u32 s1, $0x11  }
0xcb: {  	s0 =	sor.u32 s1, s0  }
0xcc: {  	s0 =	sadd.s32 $0x8F2B, s0  }
0xcd: {  	[sflag:s0] =	ssyncadd.remote.s32 $0x1  }
0xce: {  	_ =	sfence.sel $0xFFFF  }
0xcf: {  	[dreg:$0x0] =	wrdreg $0xFFFFFFFF;
	(pc) =	sbr.abs _section_cstart, $3  }
0xd0: {  	[dreg:$0x1] =	wrdreg $0xFFFFFFFF  }
0xd1: {  	_ =	task.clear_ibuf [dreg:s22], $0x2FFFF;
	_ =	strace $0x9FFFFFFF  }
0xd2: {  	(tm) =	ssettm $0x7FFFFFFF  }
0xd3: {  	_ =	shalt  }
tec
execute0_lowered:
.L_overlay_start_1:
0x0: {  	(tag) =	ssettag $0x1  }
0x1: {  	s1 =	rddreg [dreg:$0x0]  }
0x2: {  	s2 =	srdreg.scid;
	s7 =	rddreg [dreg:$0x1]  }
0x3: {  	s0 =	stileid.u32;
	s3 =	rddreg [dreg:$0x2];
	s4 =	simm.s32 $0x0  }
0x4: {  	s17 =	simm.s32 $0x50;
	s18 =	simm.s32 $0x4100;
	s19 =	simm.s32 $0x4080  }
0x5: {  	s20 =	simm.s32 $0x80;
	s21 =	simm.s32 $0x6900;
	s22 =	simm.s32 $0x1  }
0x6: {  	s23 =	simm.s32 $0x3;
	s24 =	simm.s32 $0x2;
	s25 =	simm.s32 $0x4  }
0x7: {  	s26 =	simm.s32 $0x0;
	s8 =	sand.u32 $0x1, s2;
	s2 =	rddreg [dreg:$0x3]  }
0x8: {  	s5 =	sshll.u32 s0, $0xF;
	[smem:$0x7FF] =	sst s4;
	s10 =	smul.u32 $0x13C00, s0  }
0x9: {  	s14 =	smul.u32 $0x4F000, s0;
	s31 =	sshll.u32 s0, $0x6;
	s6 =	sshll.u32 s8, $0xE  }
0xa: {  	_ =	strace $0x8000004A;
	s12 =	smul.u32 $0x13C000, s8;
	s8 =	ssub.s32 $0x2, s8  }
0xb: {  	s5 =	sor.u32 s6, s5;
	s6 =	sadd.s32 $0x3800, s7;
	s13 =	sshrl.u32 s10, $0x3  }
0xc: {  	s30 =	sshrl.u32 s8, $0x1;
	s14 =	sshrl.u32 s14, $0x2;
	s9 =	sshrl.u32 s5, $0x3  }
0xd: {  	s13 =	sadd.s32 s13, s7;
	s10 =	sadd.s32 s10, s12;
	s16 =	ssub.s32 s8, s30  }
.Ltmp0:
0xe: {  	s14 =	sadd.s32 s14, s3;
	s11 =	sadd.s32 s9, s7;
	(pc) =	sbr.rel .LBB2_1-.Ltmp0, $4  }
0xf: {  	s10 =	sshrl.u32 s10, $0x3;
	s8 =	sadd.s32 s6, s9;
	s9 =	sor.u32 $0x1C05, s31  }
0x10: {  	s14 =	sshrl.u32 s14, $0x3;
	s15 =	sadd.s32 s10, s7;
	s7 =	sadd.s32 $0x13800, s13  }
0x11: {  	s10 =	sadd.s32 $0x8A000, s11;
	s11 =	sadd.s32 $0x10, s8;
	s13 =	smax.u32 s16, $0x1  }
0x12: {  	s16 =	simm.s32 $0x4000;
	s12 =	sadd.s32 $0x9A000, s15;
	s15 =	simm.s32 $0x5  }
.LBB2_4:
0x13: {  	_ =	swait.ge [sflag:s22], $0x2800  }
0x14: {  	[sflag:s22] =	ssyncset.done $0x0  }
0x15: {  	[sflag:s22] =	ssyncadd.s32 $0xFFFFD800  }
0x16: {  	_ =	swait.ge [sflag:s23], $0x80  }
0x17: {  	[sflag:s23] =	ssyncset.done $0x0  }
0x18: {  	[sflag:s23] =	ssyncadd.s32 $0xFFFFFF80  }
0x19: {  	[spmem:s3] =	stream.indirect.scatter.add.f32 [tilespmem:s18], [sflag:$0x5], $0x80, s16, s17, $0xb8;
	[tilespmem:$0x1CD00] =	vst v63  }
0x1a: {  	_ =	swait.ge [sflag:s15], $0x2800  }
0x1b: {  	s26 =	sadd.s32 $0x1, s26;
	[sflag:s15] =	ssyncset.done $0x0  }
0x1c: {  	p0 =	sne.s32 s26, s13;
	[sflag:s15] =	ssyncadd.s32 $0xFFFFD800  }
.Ltmp1:
0x1d: {  	[bflag:$0x0] =	sbarrier.arrive $0xFFFF;
	(pc) =	sbr.rel @!p0 .LBB2_5-.Ltmp1, $4  }
0x1e: {  	[hbm:s12], [sflag:s9] =	dma.local [spmem:s14], $0x2780  }
0x1f: {  	_ =	swait.ge [sflag:s15], $0x2780  }
0x20: {  	[sflag:s15] =	ssyncset.done $0x0  }
0x21: {  	[sflag:s15] =	ssyncadd.s32 $0xFFFFD880  }
.LBB2_1:
0x22: {  	[spmem:s14], [sflag:s9] =	dma.local [hbm:s7], $0x2780  }
0x23: {  	_ =	swait.ge [sflag:s15], $0x2780  }
0x24: {  	[sflag:s15] =	ssyncset.done $0x0  }
0x25: {  	[sflag:s15] =	ssyncadd.s32 $0xFFFFD880  }
0x26: {  	[tilespmem:s4], [sflag:$0x5] =	stream.linear.gather [hbm4b:s10+s4], $0x3E80, $0x38;
	[tilespmem:$0x1CD00] =	vst v63  }
0x27: {  	_ =	swait.ge [sflag:s15], $0x3E80  }
0x28: {  	[sflag:s15] =	ssyncset.done $0x0  }
0x29: {  	[sflag:s15] =	ssyncadd.s32 $0xFFFFC180  }
0x2a: {  	[bflag:$0x0] =	sbarrier.arrive $0xFFFF  }
0x2b: {  	[tilespmem:s16], [sflag:$0x3] =	stream.linear.gather [hbm4b:s8+s4], $0x80, $0x38;
	[tilespmem:$0x1CD00] =	vst v63  }
0x2c: {  	_ = 	snop  }
0x2d: {  	[tilespmem:s18], [sflag:$0x1] =	stream.indirect.gather [hbm4b:s1+s17], $0x80, s4, s17, $0xb8;
	[tilespmem:$0x1CD00] =	vst v63  }
0x2e: {  	_ = 	snop  }
0x2f: {  	[tilespmem:s19], [sflag:$0x4] =	stream.linear.gather [hbm4b:s11+s4], $0x80, $0x38;
	[tilespmem:$0x1CD00] =	vst v63  }
0x30: {  	s28 =	simm.s32 $0x180;
	s29 =	simm.s32 $0x100  }
0x31: {  	[tilespmem:s21], [sflag:$0x2] =	stream.indirect.gather [hbm4b:s1+s17], $0x80, s20, s17, $0xb8;
	[tilespmem:$0x1CD00] =	vst v63  }
.LBB2_2:
0x32: {  	_ =	swait.ge [sflag:s22], $0x2800  }
0x33: {  	[sflag:s22] =	ssyncset.done $0x0  }
0x34: {  	[sflag:s22] =	ssyncadd.s32 $0xFFFFD800  }
0x35: {  	s30 =	sadd.s32 $0xFFFFFF80, s28;
	_ =	swait.ge [sflag:s23], $0x80  }
0x36: {  	s31 =	sand.u32 $0x7C00, s30;
	[sflag:s23] =	ssyncset.done $0x0  }
0x37: {  	s30 =	sand.u32 $0x300, s30;
	s31 =	sadd.s32 s5, s31;
	[sflag:s23] =	ssyncadd.s32 $0xFFFFFF80  }
0x38: {  	[spmem:s3] =	stream.indirect.scatter.add.f32 [tilespmem:s18], [sflag:$0x5], $0x80, s16, s17, $0xb8;
	[tilespmem:$0x1CD00] =	vst v63  }
0x39: {  	s30 =	sor.u32 s30, s31;
	_ =	swait.ge [sflag:s15], $0x2800  }
0x3a: {  	s30 =	sshrl.u32 s30, $0x3;
	[sflag:s15] =	ssyncset.done $0x0  }
0x3b: {  	s30 =	sadd.s32 s6, s30;
	[sflag:s15] =	ssyncadd.s32 $0xFFFFD800  }
0x3c: {  	[tilespmem:s16], [sflag:$0x3] =	stream.linear.gather [hbm4b:s30+s4], $0x80, $0x38;
	[tilespmem:$0x1CD00] =	vst v63  }
0x3d: {  	_ = 	snop  }
0x3e: {  	[tilespmem:s18], [sflag:$0x1] =	stream.indirect.gather [hbm4b:s1+s17], $0x80, s29, s17, $0xb8;
	[tilespmem:$0x1CD00] =	vst v63  }
0x3f: {  	_ =	swait.ge [sflag:s24], $0x2800  }
0x40: {  	[sflag:s24] =	ssyncset.done $0x0  }
0x41: {  	[sflag:s24] =	ssyncadd.s32 $0xFFFFD800  }
0x42: {  	_ =	swait.ge [sflag:s25], $0x80  }
0x43: {  	p0 =	seq.s32 s28, $0x3E80;
	[sflag:s25] =	ssyncset.done $0x0  }
.Ltmp2:
0x44: {  	[sflag:s25] =	ssyncadd.s32 $0xFFFFFF80;
	(pc) =	sbr.rel @p0 .LBB2_4-.Ltmp2, $4  }
0x45: {  	[spmem:s3] =	stream.indirect.scatter.add.f32 [tilespmem:s21], [sflag:$0x5], $0x80, s19, s17, $0xb8;
	[tilespmem:$0x1CD00] =	vst v63  }
0x46: {  	_ =	swait.ge [sflag:s15], $0x2800  }
0x47: {  	[sflag:s15] =	ssyncset.done $0x0  }
0x48: {  	[sflag:s15] =	ssyncadd.s32 $0xFFFFD800  }
0x49: {  	s30 =	sand.u32 $0x7C00, s28  }
0x4a: {  	s31 =	sand.u32 $0x380, s28;
	s30 =	sadd.s32 s5, s30  }
0x4b: {  	s30 =	sor.u32 s31, s30  }
.Ltmp3:
0x4c: {  	s30 =	sshrl.u32 s30, $0x3;
	(pc) =	sbr.rel .LBB2_2-.Ltmp3, $4  }
0x4d: {  	s30 =	sadd.s32 s6, s30  }
0x4e: {  	[tilespmem:s19], [sflag:$0x4] =	stream.linear.gather [hbm4b:s30+s4], $0x80, $0x38;
	[tilespmem:$0x1CD00] =	vst v63  }
0x4f: {  	s28 =	sadd.s32 $0x100, s28;
	s31 =	sadd.s32 $0x80, s29;
	s29 =	sadd.s32 $0x100, s29  }
0x50: {  	[tilespmem:s21], [sflag:$0x2] =	stream.indirect.gather [hbm4b:s1+s17], $0x80, s31, s17, $0xb8;
	[tilespmem:$0x1CD00] =	vst v63  }
.LBB2_5:
0x51: {  	_ =	sfence.sel $0x180000  }
0x52: {  	[bflag:$0x0] =	sbarrier.arrive $0xFFFF  }
0x53: {  	p0 =	sne.s32 s0, $0x0;
	_ =	strace $0x9000004A  }
0x54: {  	s0 =	sadd.s32 @!p0 $0x100000, s2;
	[bflag:$0x2] =	sbarrier.arrive $0xFFFF  }
0x55: {  	[sflag:s0] =	ssyncadd.tile.s32 @!p0 $0x1;
	_ =	shalt  }
.Lfunc_end2:
_tile_overlayer_lowered:
.L_overlay_start_2:
0x56: {  	(tag) =	ssettag $0x2  }
0x57: {  	s0 =	rddreg [dreg:$0x0];
	s2 =	stileid.u32  }
0x58: {  	s1 =	rddreg [dreg:$0x1];
	p0 =	sne.s32 s2, $0x0  }
0x59: {  	s3 =	rddreg [dreg:$0x2];
	[bflag:$0x3] =	sbarrier.arrive $0xFFFF;
	s2 =	simm.s32 @!p0 $0x1C05  }
0x5a: {  	[timem:s3], [sflag:s2] =	dma.local @!p0 [hbm:s0], s1  }
0x5b: {  	s0 =	simm.s32 @!p0 $0x5  }
0x5c: {  	_ =	swait.ge @!p0 [sflag:s0], s1  }
0x5d: {  	s1 =	ssub.s32 @!p0 $0x0, s1;
	[sflag:s0] =	ssyncset.done @!p0 $0x0  }
0x5e: {  	[sflag:s0] =	ssyncadd.s32 @!p0 s1  }
0x5f: {  	[bflag:$0x3] =	sbarrier.arrive $0xFFFF  }
0x60: {  	_ =	shalt  }

// kernel: kernel.15.cloned.1.call-start
scs
__scs_entry_jumppad:
0x0: {  	(pc) =	sbr.rel $0x88, $3  }
0x1: {  	(tag) =	ssettag $0x0;
	lr =	simm.s32 $0x1  }
0x2: {  	[smem:$0x3F92] =	sst lr;
	_ =	strace $0xD0000000  }
0x3: {  	_ = 	snop  }
0x4: {  	_ = 	snop  }
0x5: {  	_ = 	snop  }
0x6: {  	_ = 	snop  }
0x7: {  	_ = 	snop  }
__scs_overlays_trampoline_lowered:
0x8: {  	[smem:$0x3FA1] =	sst s0  }
0x9: {  	[smem:$0x3FA2] =	sst s1  }
0xa: {  	[smem:$0x3FA3] =	sst s2  }
0xb: {  	[smem:$0x3FA4] =	sst s3  }
0xc: {  	[smem:$0x3FA5] =	sst s4  }
0xd: {  	[smem:$0x3FA6] =	sst s5  }
0xe: {  	[smem:$0x3FA7] =	sst s6  }
0xf: {  	[smem:$0x3FA8] =	sst s7  }
0x10: {  	[smem:$0x3FA9] =	sst s8  }
0x11: {  	[smem:$0x3FAA] =	sst s9;
	s0 =	simm.s32 @!p0 $0x0  }
0x12: {  	s1 =	sld [smem:$0x3F90];
	s0 =	simm.s32 @p0 $0x1  }
0x13: {  	[smem:$0x3FAB] =	sst s0;
	s0 =	simm.s32 @!p1 $0x0  }
0x14: {  	s2 =	sld [smem:$0x3F8F];
	s0 =	simm.s32 @p1 $0x1  }
0x15: {  	[smem:$0x3FAC] =	sst s0;
	s0 =	simm.s32 @!p2 $0x0  }
0x16: {  	s3 =	sld [smem:$0x3FDB];
	s0 =	simm.s32 @p2 $0x1  }
0x17: {  	s4 =	simm.s32 $0x1BF5;
	[smem:$0x3FAE] =	sst s0  }
0x18: {  	s0 =	sld [smem:$0x3F91];
	_ =	swait.ge [sflag:s4], $0x0  }
0x19: {  	s7 =	sld [smem:$0x3F92]  }
0x1a: {  	s8 =	sadd.s32 $0xFFFFE003, lr  }
0x1b: {  	s9 =	sadd.s32 $0xFFFFFEF7, lr;
	s5 =	simm.s32 $0xFFFFFFFF;
	p2 =	slt.u32 s8, $0xFFFFF086  }
0x1c: {  	p1 =	slt.u32 s9, $0xF7A;
	s5 =	simm.s32 @!p2 $0x0  }
0x1d: {  	s5 =	simm.s32 @p1 $0x1;
	p0 =	seq.s32 s7, s2  }
0x1e: {  	s7 =	smul.u32 @!p0 $0xF7A, s2;
	p2 =	seq.s32 @!p0 s5, $0x0  }
0x1f: {  	s9 =	smul.u32 $0xF7A, s1;
	s8 =	simm.s32 @!p0 $0x1BF5;
	p2 =	por !p2, p0  }
0x20: {  	[sflag:s8] =	ssyncset.s32 @!p0 $0xFFFFF086;
	s6 =	sadd.s32 @!p0 s3, s7;
	s7 =	simm.s32 @!p0 $0x108  }
0x21: {  	s3 =	sadd.s32 s3, s9;
	s6 =	sadd.s32 @!p0 $0x88, s6;
	s7 =	simm.s32 @p2 $0x1082  }
0x22: {  	[simem:s7], [sflag:s8] =	dma.local @!p0 [hbm:s6], $0xF7A  }
0x23: {  	s9 =	sor.u32 $0xD0000000, s2;
	s6 =	simm.s32 $0x108;
	_ =	swait.ge @!p0 [sflag:s8], $0x0  }
0x24: {  	s3 =	sadd.s32 $0x88, s3;
	s6 =	simm.s32 @!p1 $0x1082;
	[sflag:s4] =	ssyncset.s32 $0xFFFFF086  }
0x25: {  	[simem:s6], [sflag:s4] =	dma.local [hbm:s3], $0xF7A  }
0x26: {  	[smem:$0x3F92] =	sst s1;
	(tag) =	ssettag s2;
	_ =	strace s9  }
0x27: {  	s1 =	sld [smem:$0x3FA2]  }
0x28: {  	s2 =	sld [smem:$0x3FA3]  }
0x29: {  	s4 =	sld [smem:$0x3FA5]  }
0x2a: {  	p0 =	seq.s32 s5, $0x0;
	s5 =	sld [smem:$0x3FA6]  }
0x2b: {  	s6 =	sld [smem:$0x3FA7]  }
0x2c: {  	s7 =	sld [smem:$0x3FA8]  }
0x2d: {  	s3 =	simm.s32 $0x108;
	s8 =	sld [smem:$0x3FA9]  }
0x2e: {  	s3 =	simm.s32 @!p0 $0x1082;
	s9 =	sld [smem:$0x3FAA]  }
0x2f: {  	lr =	sadd.s32 s0, s3;
	s0 =	sld [smem:$0x3FA1]  }
0x30: {  	s3 =	sld [smem:$0x3FA4]  }
0x31: {  	[smem:$0x3FAD] =	sst s10  }
0x32: {  	s10 =	sld [smem:$0x3FAB];
	_ =	sdelay $0x3  }
0x33: {  	p0 =	seq.s32 s10, $0x1;
	s10 =	sld [smem:$0x3FAD];
	_ =	sdelay $0x3  }
0x34: {  	[smem:$0x3FAD] =	sst s10  }
0x35: {  	s10 =	sld [smem:$0x3FAC];
	_ =	sdelay $0x3  }
0x36: {  	p1 =	seq.s32 s10, $0x1;
	s10 =	sld [smem:$0x3FAD];
	_ =	sdelay $0x3  }
0x37: {  	[smem:$0x3FAD] =	sst s10  }
0x38: {  	s10 =	sld [smem:$0x3FAE]  }
0x39: {  	_ = 	snop;
	(pc) =	sbr.ind lr, $3  }
0x3a: {  	_ = 	snop  }
0x3b: {  	_ = 	snop  }
0x3c: {  	p2 =	seq.s32 s10, $0x1;
	s10 =	sld [smem:$0x3FAD]  }
0x3d: {  	_ =	shalt  }
0x3e: {  	_ =	shalt  }
0x3f: {  	_ =	shalt  }
0x40: {  	_ =	shalt  }
0x41: {  	_ =	shalt  }
0x42: {  	_ =	shalt  }
0x43: {  	_ =	shalt  }
0x44: {  	_ =	shalt  }
0x45: {  	_ =	shalt  }
0x46: {  	_ =	shalt  }
0x47: {  	_ =	shalt  }
0x48: {  	_ =	shalt  }
0x49: {  	_ =	shalt  }
0x4a: {  	_ =	shalt  }
0x4b: {  	_ =	shalt  }
0x4c: {  	_ =	shalt  }
0x4d: {  	_ =	shalt  }
0x4e: {  	_ =	shalt  }
0x4f: {  	_ =	shalt  }
0x50: {  	_ =	shalt  }
0x51: {  	_ =	shalt  }
0x52: {  	_ =	shalt  }
0x53: {  	_ =	shalt  }
0x54: {  	_ =	shalt  }
0x55: {  	_ =	shalt  }
0x56: {  	_ =	shalt  }
0x57: {  	_ =	shalt  }
0x58: {  	_ =	shalt  }
0x59: {  	_ =	shalt  }
0x5a: {  	_ =	shalt  }
0x5b: {  	_ =	shalt  }
0x5c: {  	_ =	shalt  }
0x5d: {  	_ =	shalt  }
0x5e: {  	_ =	shalt  }
0x5f: {  	_ =	shalt  }
0x60: {  	_ =	shalt  }
0x61: {  	_ =	shalt  }
0x62: {  	_ =	shalt  }
0x63: {  	_ =	shalt  }
0x64: {  	_ =	shalt  }
0x65: {  	_ =	shalt  }
0x66: {  	_ =	shalt  }
0x67: {  	_ =	shalt  }
0x68: {  	_ =	shalt  }
0x69: {  	_ =	shalt  }
0x6a: {  	_ =	shalt  }
0x6b: {  	_ =	shalt  }
0x6c: {  	_ =	shalt  }
0x6d: {  	_ =	shalt  }
0x6e: {  	_ =	shalt  }
0x6f: {  	_ =	shalt  }
0x70: {  	_ =	shalt  }
0x71: {  	_ =	shalt  }
0x72: {  	_ =	shalt  }
0x73: {  	_ =	shalt  }
0x74: {  	_ =	shalt  }
0x75: {  	_ =	shalt  }
0x76: {  	_ =	shalt  }
0x77: {  	_ =	shalt  }
0x78: {  	_ =	shalt  }
0x79: {  	_ =	shalt  }
0x7a: {  	_ =	shalt  }
0x7b: {  	_ =	shalt  }
0x7c: {  	_ =	shalt  }
0x7d: {  	_ =	shalt  }
0x7e: {  	_ =	shalt  }
0x7f: {  	_ =	shalt  }
0x80: {  	_ =	shalt  }
0x81: {  	_ =	shalt  }
0x82: {  	_ =	shalt  }
0x83: {  	_ =	shalt  }
0x84: {  	_ =	shalt  }
0x85: {  	_ =	shalt  }
0x86: {  	_ =	shalt  }
0x87: {  	_ =	shalt  }
.Lfunc_end0:
.L_simem_size_0:
called_computation.2_lowered:
.L_overlay_start_0:
0x88: {  	s2 =	sld [smem:$0x3FD9]  }
0x89: {  	s3 =	sld [smem:$0x3FFE];
	_ =	sdelay $0x1  }
0x8a: {  	s1 =	srdreg.scid  }
0x8b: {  	s0 =	sand.u32 $0x1, s1  }
0x8c: {  	s17 =	sshll.u32 s0, $0xA;
	s2 =	sadd.s32 s3, s2  }
0x8d: {  	s2 =	sadd.s32 s2, s17  }
0x8e: {  	[smem:$0x3FB9] =	sst s2  }
0x8f: {  	_ = 	snop  }
0x90: {  	s2 =	sld [smem:$0x3FD0];
	(tm) =	ssettm $0x1  }
0x91: {  	s18 =	sld [smem:$0x3FFB];
	_ =	sdelay $0x3  }
0x92: {  	_ =	strace s18  }
0x93: {  	s3 =	sld [smem:$0x3FFC];
	_ =	sdelay $0x3  }
0x94: {  	_ =	strace s3  }
0x95: {  	s3 =	sld [smem:$0x3FFD];
	_ =	sdelay $0x3  }
0x96: {  	_ =	strace s3  }
0x97: {  	_ =	strace $0x8FFFFFFF  }
0x98: {  	s19 =	sld [smem:$0x3FDB];
	_ =	sdelay $0x1  }
0x99: {  	s4 =	simm.s32 $_scs_section_size  }
0x9a: {  	s5 =	simm.s32 $_size__tile_overlayer_lowered;
	s6 =	simm.s32 $_tile_overlayer_lowered  }
0x9b: {  	s22 =	simm.s32 $0x1BFF;
	s21 =	sshll.u32 s6, $0x1;
	s3 =	sadd.s32 s4, s19  }
0x9c: {  	s7 =	simm.s32 $0x0;
	s20 =	sshll.u32 s5, $0x1;
	s5 =	sadd.s32 s21, s3  }
0x9d: {  	[timem:s7], [sflag:s22] =	dma.local [hbm:s5], s20  }
0x9e: {  	_ =	swait.ge [sflag:s22], s20  }
0x9f: {  	s4 =	ssub.s32 $0x0, s20;
	[sflag:s22] =	ssyncset.done $0x0  }
0xa0: {  	[sflag:s22] =	ssyncadd.s32 s4;
	_ =	sdelay $0x1  }
0xa1: {  	s23 =	simm.s32 $0x1B8B  }
0xa2: {  	_ =	swait.ge [sflag:s23], $0x1  }
0xa3: {  	[sflag:s23] =	ssyncset.done $0x0  }
0xa4: {  	s25 =	simm.s32 $0x1B8E;
	s24 =	sld [smem:$0x3FFE];
	[sflag:s23] =	ssyncadd.s32 $0xFFFFFFFF  }
0xa5: {  	s26 =	simm.s32 $execute0_lowered;
	[smem:$0x3FD2] =	sst s25  }
0xa6: {  	s5 =	sshll.u32 s26, $0x1;
	_ =	strace $0x8000004C;
	[dreg:$0x1] =	wrdreg $0xFFFFFFFF  }
0xa7: {  	s28 =	simm.s32 $_size_execute0_lowered;
	s3 =	sadd.s32 s3, s5;
	[dreg:$0x0] =	wrdreg $0x0  }
0xa8: {  	s5 =	sshll.u32 s28, $0x1;
	[dreg:$0x2] =	wrdreg s3  }
0xa9: {  	[dreg:$0x3] =	wrdreg s5  }
0xaa: {  	[dreg:$0x4] =	wrdreg $0xC0  }
0xab: {  	_ =	task [dreg:s7], $0x5FFFF  }
0xac: {  	[dreg:$0x1] =	wrdreg $0xFFFFFFFF  }
0xad: {  	[dreg:$0x0] =	wrdreg $0x60  }
0xae: {  	[dreg:$0x2] =	wrdreg s2  }
0xaf: {  	[dreg:$0x3] =	wrdreg s24  }
0xb0: {  	[dreg:$0x4] =	wrdreg $0x91000  }
0xb1: {  	[dreg:$0x5] =	wrdreg $0x9  }
0xb2: {  	_ =	task.clear_ibuf [dreg:s7], $0x6FFFF;
	_ =	strace $0x9000004C  }
0xb3: {  	s29 =	simm.s32 $0x9;
	_ =	strace $0x8000004E  }
0xb4: {  	_ =	swait.ge [sflag:s29], $0x1  }
0xb5: {  	[sflag:s29] =	ssyncadd.s32 $0xFFFFFFFF  }
0xb6: {  	_ =	strace $0x9000004E  }
0xb7: {  	_ =	sfence  }
0xb8: {  	s30 =	sld [smem:$0x0];
	_ =	sdelay $0x2  }
0xb9: {  	s31 =	sshll.u32 s1, $0xD;
	s1 =	sshrl.u32 s1, $0x2  }
0xba: {  	s3 =	sand.u32 $0x4000, s31;
	s1 =	sadd.s32 s1, s30  }
0xbb: {  	s0 =	sor.u32 s3, s0;
	s1 =	sshll.u32 s1, $0x11  }
0xbc: {  	s0 =	sor.u32 s1, s0  }
0xbd: {  	s0 =	sadd.s32 $0x8F2B, s0  }
0xbe: {  	[sflag:s0] =	ssyncadd.remote.s32 $0x1  }
0xbf: {  	_ =	sfence.sel $0xFFFF  }
0xc0: {  	[dreg:$0x0] =	wrdreg $0xFFFFFFFF;
	(pc) =	sbr.abs _section_cstart, $3  }
0xc1: {  	[dreg:$0x1] =	wrdreg $0xFFFFFFFF  }
0xc2: {  	_ =	task.clear_ibuf [dreg:s7], $0x2FFFF;
	_ =	strace $0x9FFFFFFF  }
0xc3: {  	(tm) =	ssettm $0x7FFFFFFF  }
tec
execute0_lowered:
.L_overlay_start_1:
0x0: {  	(tag) =	ssettag $0x1  }
0x1: {  	s1 =	rddreg [dreg:$0x0]  }
0x2: {  	s2 =	srdreg.scid;
	s7 =	rddreg [dreg:$0x1]  }
0x3: {  	s0 =	stileid.u32;
	s3 =	rddreg [dreg:$0x2];
	s4 =	simm.s32 $0x0  }
0x4: {  	s17 =	simm.s32 $0x50;
	s18 =	simm.s32 $0x4100;
	s19 =	simm.s32 $0x4080  }
0x5: {  	s20 =	simm.s32 $0x80;
	s21 =	simm.s32 $0x6900;
	s22 =	simm.s32 $0x1  }
0x6: {  	s23 =	simm.s32 $0x3;
	s24 =	simm.s32 $0x2;
	s25 =	simm.s32 $0x4  }
0x7: {  	s26 =	simm.s32 $0x0;
	s8 =	sand.u32 $0x1, s2;
	s2 =	rddreg [dreg:$0x3]  }
0x8: {  	s5 =	sshll.u32 s0, $0xF;
	[smem:$0x7FF] =	sst s4;
	s10 =	smul.u32 $0x13C00, s0  }
0x9: {  	s14 =	smul.u32 $0x4F000, s0;
	s31 =	sshll.u32 s0, $0x6;
	s6 =	sshll.u32 s8, $0xE  }
0xa: {  	_ =	strace $0x8000004D;
	s12 =	smul.u32 $0x13C000, s8;
	s8 =	ssub.s32 $0x2, s8  }
0xb: {  	s5 =	sor.u32 s6, s5;
	s6 =	sadd.s32 $0x3800, s7;
	s13 =	sshrl.u32 s10, $0x3  }
0xc: {  	s30 =	sshrl.u32 s8, $0x1;
	s14 =	sshrl.u32 s14, $0x2;
	s9 =	sshrl.u32 s5, $0x3  }
0xd: {  	s13 =	sadd.s32 s13, s7;
	s10 =	sadd.s32 s10, s12;
	s16 =	ssub.s32 s8, s30  }
.Ltmp0:
0xe: {  	s14 =	sadd.s32 s14, s3;
	s11 =	sadd.s32 s9, s7;
	(pc) =	sbr.rel .LBB2_1-.Ltmp0, $4  }
0xf: {  	s10 =	sshrl.u32 s10, $0x3;
	s8 =	sadd.s32 s6, s9;
	s9 =	sor.u32 $0x1C05, s31  }
0x10: {  	s14 =	sshrl.u32 s14, $0x3;
	s15 =	sadd.s32 s10, s7;
	s7 =	sadd.s32 $0x13800, s13  }
0x11: {  	s10 =	sadd.s32 $0x8A000, s11;
	s11 =	sadd.s32 $0x10, s8;
	s13 =	smax.u32 s16, $0x1  }
0x12: {  	s16 =	simm.s32 $0x4000;
	s12 =	sadd.s32 $0x9A000, s15;
	s15 =	simm.s32 $0x5  }
.LBB2_4:
0x13: {  	_ =	swait.ge [sflag:s22], $0x2800  }
0x14: {  	[sflag:s22] =	ssyncset.done $0x0  }
0x15: {  	[sflag:s22] =	ssyncadd.s32 $0xFFFFD800  }
0x16: {  	_ =	swait.ge [sflag:s23], $0x80  }
0x17: {  	[sflag:s23] =	ssyncset.done $0x0  }
0x18: {  	[sflag:s23] =	ssyncadd.s32 $0xFFFFFF80  }
0x19: {  	[spmem:s3] =	stream.indirect.scatter.add.f32 [tilespmem:s18], [sflag:$0x5], $0x80, s16, s17, $0xb8;
	[tilespmem:$0x1CD00] =	vst v63  }
0x1a: {  	_ =	swait.ge [sflag:s15], $0x2800  }
0x1b: {  	s26 =	sadd.s32 $0x1, s26;
	[sflag:s15] =	ssyncset.done $0x0  }
0x1c: {  	p0 =	sne.s32 s26, s13;
	[sflag:s15] =	ssyncadd.s32 $0xFFFFD800  }
.Ltmp1:
0x1d: {  	[bflag:$0x0] =	sbarrier.arrive $0xFFFF;
	(pc) =	sbr.rel @!p0 .LBB2_5-.Ltmp1, $4  }
0x1e: {  	[hbm:s12], [sflag:s9] =	dma.local [spmem:s14], $0x2780  }
0x1f: {  	_ =	swait.ge [sflag:s15], $0x2780  }
0x20: {  	[sflag:s15] =	ssyncset.done $0x0  }
0x21: {  	[sflag:s15] =	ssyncadd.s32 $0xFFFFD880  }
.LBB2_1:
0x22: {  	[spmem:s14], [sflag:s9] =	dma.local [hbm:s7], $0x2780  }
0x23: {  	_ =	swait.ge [sflag:s15], $0x2780  }
0x24: {  	[sflag:s15] =	ssyncset.done $0x0  }
0x25: {  	[sflag:s15] =	ssyncadd.s32 $0xFFFFD880  }
0x26: {  	[tilespmem:s4], [sflag:$0x5] =	stream.linear.gather [hbm4b:s10+s4], $0x3E80, $0x38;
	[tilespmem:$0x1CD00] =	vst v63  }
0x27: {  	_ =	swait.ge [sflag:s15], $0x3E80  }
0x28: {  	[sflag:s15] =	ssyncset.done $0x0  }
0x29: {  	[sflag:s15] =	ssyncadd.s32 $0xFFFFC180  }
0x2a: {  	[bflag:$0x0] =	sbarrier.arrive $0xFFFF  }
0x2b: {  	[tilespmem:s16], [sflag:$0x3] =	stream.linear.gather [hbm4b:s8+s4], $0x80, $0x38;
	[tilespmem:$0x1CD00] =	vst v63  }
0x2c: {  	_ = 	snop  }
0x2d: {  	[tilespmem:s18], [sflag:$0x1] =	stream.indirect.gather [hbm4b:s1+s17], $0x80, s4, s17, $0xb8;
	[tilespmem:$0x1CD00] =	vst v63  }
0x2e: {  	_ = 	snop  }
0x2f: {  	[tilespmem:s19], [sflag:$0x4] =	stream.linear.gather [hbm4b:s11+s4], $0x80, $0x38;
	[tilespmem:$0x1CD00] =	vst v63  }
0x30: {  	s28 =	simm.s32 $0x180;
	s29 =	simm.s32 $0x100  }
0x31: {  	[tilespmem:s21], [sflag:$0x2] =	stream.indirect.gather [hbm4b:s1+s17], $0x80, s20, s17, $0xb8;
	[tilespmem:$0x1CD00] =	vst v63  }
.LBB2_2:
0x32: {  	_ =	swait.ge [sflag:s22], $0x2800  }
0x33: {  	[sflag:s22] =	ssyncset.done $0x0  }
0x34: {  	[sflag:s22] =	ssyncadd.s32 $0xFFFFD800  }
0x35: {  	s30 =	sadd.s32 $0xFFFFFF80, s28;
	_ =	swait.ge [sflag:s23], $0x80  }
0x36: {  	s31 =	sand.u32 $0x7C00, s30;
	[sflag:s23] =	ssyncset.done $0x0  }
0x37: {  	s30 =	sand.u32 $0x300, s30;
	s31 =	sadd.s32 s5, s31;
	[sflag:s23] =	ssyncadd.s32 $0xFFFFFF80  }
0x38: {  	[spmem:s3] =	stream.indirect.scatter.add.f32 [tilespmem:s18], [sflag:$0x5], $0x80, s16, s17, $0xb8;
	[tilespmem:$0x1CD00] =	vst v63  }
0x39: {  	s30 =	sor.u32 s30, s31;
	_ =	swait.ge [sflag:s15], $0x2800  }
0x3a: {  	s30 =	sshrl.u32 s30, $0x3;
	[sflag:s15] =	ssyncset.done $0x0  }
0x3b: {  	s30 =	sadd.s32 s6, s30;
	[sflag:s15] =	ssyncadd.s32 $0xFFFFD800  }
0x3c: {  	[tilespmem:s16], [sflag:$0x3] =	stream.linear.gather [hbm4b:s30+s4], $0x80, $0x38;
	[tilespmem:$0x1CD00] =	vst v63  }
0x3d: {  	_ = 	snop  }
0x3e: {  	[tilespmem:s18], [sflag:$0x1] =	stream.indirect.gather [hbm4b:s1+s17], $0x80, s29, s17, $0xb8;
	[tilespmem:$0x1CD00] =	vst v63  }
0x3f: {  	_ =	swait.ge [sflag:s24], $0x2800  }
0x40: {  	[sflag:s24] =	ssyncset.done $0x0  }
0x41: {  	[sflag:s24] =	ssyncadd.s32 $0xFFFFD800  }
0x42: {  	_ =	swait.ge [sflag:s25], $0x80  }
0x43: {  	p0 =	seq.s32 s28, $0x3E80;
	[sflag:s25] =	ssyncset.done $0x0  }
.Ltmp2:
0x44: {  	[sflag:s25] =	ssyncadd.s32 $0xFFFFFF80;
	(pc) =	sbr.rel @p0 .LBB2_4-.Ltmp2, $4  }
0x45: {  	[spmem:s3] =	stream.indirect.scatter.add.f32 [tilespmem:s21], [sflag:$0x5], $0x80, s19, s17, $0xb8;
	[tilespmem:$0x1CD00] =	vst v63  }
0x46: {  	_ =	swait.ge [sflag:s15], $0x2800  }
0x47: {  	[sflag:s15] =	ssyncset.done $0x0  }
0x48: {  	[sflag:s15] =	ssyncadd.s32 $0xFFFFD800  }
0x49: {  	s30 =	sand.u32 $0x7C00, s28  }
0x4a: {  	s31 =	sand.u32 $0x380, s28;
	s30 =	sadd.s32 s5, s30  }
0x4b: {  	s30 =	sor.u32 s31, s30  }
.Ltmp3:
0x4c: {  	s30 =	sshrl.u32 s30, $0x3;
	(pc) =	sbr.rel .LBB2_2-.Ltmp3, $4  }
0x4d: {  	s30 =	sadd.s32 s6, s30  }
0x4e: {  	[tilespmem:s19], [sflag:$0x4] =	stream.linear.gather [hbm4b:s30+s4], $0x80, $0x38;
	[tilespmem:$0x1CD00] =	vst v63  }
0x4f: {  	s28 =	sadd.s32 $0x100, s28;
	s31 =	sadd.s32 $0x80, s29;
	s29 =	sadd.s32 $0x100, s29  }
0x50: {  	[tilespmem:s21], [sflag:$0x2] =	stream.indirect.gather [hbm4b:s1+s17], $0x80, s31, s17, $0xb8;
	[tilespmem:$0x1CD00] =	vst v63  }
.LBB2_5:
0x51: {  	_ =	sfence.sel $0x180000  }
0x52: {  	[bflag:$0x0] =	sbarrier.arrive $0xFFFF  }
0x53: {  	p0 =	sne.s32 s0, $0x0;
	_ =	strace $0x9000004D  }
0x54: {  	s0 =	sadd.s32 @!p0 $0x100000, s2;
	[bflag:$0x2] =	sbarrier.arrive $0xFFFF  }
0x55: {  	[sflag:s0] =	ssyncadd.tile.s32 @!p0 $0x1;
	_ =	shalt  }
.Lfunc_end2:
_tile_overlayer_lowered:
.L_overlay_start_2:
0x56: {  	(tag) =	ssettag $0x2  }
0x57: {  	s0 =	rddreg [dreg:$0x0];
	s2 =	stileid.u32  }
0x58: {  	s1 =	rddreg [dreg:$0x1];
	p0 =	sne.s32 s2, $0x0  }
0x59: {  	s3 =	rddreg [dreg:$0x2];
	[bflag:$0x3] =	sbarrier.arrive $0xFFFF;
	s2 =	simm.s32 @!p0 $0x1C05  }
0x5a: {  	[timem:s3], [sflag:s2] =	dma.local @!p0 [hbm:s0], s1  }
0x5b: {  	s0 =	simm.s32 @!p0 $0x5  }
0x5c: {  	_ =	swait.ge @!p0 [sflag:s0], s1  }
0x5d: {  	s1 =	ssub.s32 @!p0 $0x0, s1;
	[sflag:s0] =	ssyncset.done @!p0 $0x0  }
0x5e: {  	[sflag:s0] =	ssyncadd.s32 @!p0 s1  }
0x5f: {  	[bflag:$0x3] =	sbarrier.arrive $0xFFFF  }
0x60: {  	_ =	shalt  }

// kernel: kernel.18.cloned.1.call-start
scs
__scs_entry_jumppad:
0x0: {  	(pc) =	sbr.rel $0x88, $3  }
0x1: {  	(tag) =	ssettag $0x0;
	lr =	simm.s32 $0x1  }
0x2: {  	[smem:$0x3F92] =	sst lr;
	_ =	strace $0xD0000000  }
0x3: {  	_ = 	snop  }
0x4: {  	_ = 	snop  }
0x5: {  	_ = 	snop  }
0x6: {  	_ = 	snop  }
0x7: {  	_ = 	snop  }
__scs_overlays_trampoline_lowered:
0x8: {  	[smem:$0x3FA1] =	sst s0  }
0x9: {  	[smem:$0x3FA2] =	sst s1  }
0xa: {  	[smem:$0x3FA3] =	sst s2  }
0xb: {  	[smem:$0x3FA4] =	sst s3  }
0xc: {  	[smem:$0x3FA5] =	sst s4  }
0xd: {  	[smem:$0x3FA6] =	sst s5  }
0xe: {  	[smem:$0x3FA7] =	sst s6  }
0xf: {  	[smem:$0x3FA8] =	sst s7  }
0x10: {  	[smem:$0x3FA9] =	sst s8  }
0x11: {  	[smem:$0x3FAA] =	sst s9;
	s0 =	simm.s32 @!p0 $0x0  }
0x12: {  	s1 =	sld [smem:$0x3F90];
	s0 =	simm.s32 @p0 $0x1  }
0x13: {  	[smem:$0x3FAB] =	sst s0;
	s0 =	simm.s32 @!p1 $0x0  }
0x14: {  	s2 =	sld [smem:$0x3F8F];
	s0 =	simm.s32 @p1 $0x1  }
0x15: {  	[smem:$0x3FAC] =	sst s0;
	s0 =	simm.s32 @!p2 $0x0  }
0x16: {  	s3 =	sld [smem:$0x3FDB];
	s0 =	simm.s32 @p2 $0x1  }
0x17: {  	s4 =	simm.s32 $0x1BF5;
	[smem:$0x3FAE] =	sst s0  }
0x18: {  	s0 =	sld [smem:$0x3F91];
	_ =	swait.ge [sflag:s4], $0x0  }
0x19: {  	s7 =	sld [smem:$0x3F92]  }
0x1a: {  	s8 =	sadd.s32 $0xFFFFE003, lr  }
0x1b: {  	s9 =	sadd.s32 $0xFFFFFEF7, lr;
	s5 =	simm.s32 $0xFFFFFFFF;
	p2 =	slt.u32 s8, $0xFFFFF086  }
0x1c: {  	p1 =	slt.u32 s9, $0xF7A;
	s5 =	simm.s32 @!p2 $0x0  }
0x1d: {  	s5 =	simm.s32 @p1 $0x1;
	p0 =	seq.s32 s7, s2  }
0x1e: {  	s7 =	smul.u32 @!p0 $0xF7A, s2;
	p2 =	seq.s32 @!p0 s5, $0x0  }
0x1f: {  	s9 =	smul.u32 $0xF7A, s1;
	s8 =	simm.s32 @!p0 $0x1BF5;
	p2 =	por !p2, p0  }
0x20: {  	[sflag:s8] =	ssyncset.s32 @!p0 $0xFFFFF086;
	s6 =	sadd.s32 @!p0 s3, s7;
	s7 =	simm.s32 @!p0 $0x108  }
0x21: {  	s3 =	sadd.s32 s3, s9;
	s6 =	sadd.s32 @!p0 $0x88, s6;
	s7 =	simm.s32 @p2 $0x1082  }
0x22: {  	[simem:s7], [sflag:s8] =	dma.local @!p0 [hbm:s6], $0xF7A  }
0x23: {  	s9 =	sor.u32 $0xD0000000, s2;
	s6 =	simm.s32 $0x108;
	_ =	swait.ge @!p0 [sflag:s8], $0x0  }
0x24: {  	s3 =	sadd.s32 $0x88, s3;
	s6 =	simm.s32 @!p1 $0x1082;
	[sflag:s4] =	ssyncset.s32 $0xFFFFF086  }
0x25: {  	[simem:s6], [sflag:s4] =	dma.local [hbm:s3], $0xF7A  }
0x26: {  	[smem:$0x3F92] =	sst s1;
	(tag) =	ssettag s2;
	_ =	strace s9  }
0x27: {  	s1 =	sld [smem:$0x3FA2]  }
0x28: {  	s2 =	sld [smem:$0x3FA3]  }
0x29: {  	s4 =	sld [smem:$0x3FA5]  }
0x2a: {  	p0 =	seq.s32 s5, $0x0;
	s5 =	sld [smem:$0x3FA6]  }
0x2b: {  	s6 =	sld [smem:$0x3FA7]  }
0x2c: {  	s7 =	sld [smem:$0x3FA8]  }
0x2d: {  	s3 =	simm.s32 $0x108;
	s8 =	sld [smem:$0x3FA9]  }
0x2e: {  	s3 =	simm.s32 @!p0 $0x1082;
	s9 =	sld [smem:$0x3FAA]  }
0x2f: {  	lr =	sadd.s32 s0, s3;
	s0 =	sld [smem:$0x3FA1]  }
0x30: {  	s3 =	sld [smem:$0x3FA4]  }
0x31: {  	[smem:$0x3FAD] =	sst s10  }
0x32: {  	s10 =	sld [smem:$0x3FAB];
	_ =	sdelay $0x3  }
0x33: {  	p0 =	seq.s32 s10, $0x1;
	s10 =	sld [smem:$0x3FAD];
	_ =	sdelay $0x3  }
0x34: {  	[smem:$0x3FAD] =	sst s10  }
0x35: {  	s10 =	sld [smem:$0x3FAC];
	_ =	sdelay $0x3  }
0x36: {  	p1 =	seq.s32 s10, $0x1;
	s10 =	sld [smem:$0x3FAD];
	_ =	sdelay $0x3  }
0x37: {  	[smem:$0x3FAD] =	sst s10  }
0x38: {  	s10 =	sld [smem:$0x3FAE]  }
0x39: {  	_ = 	snop;
	(pc) =	sbr.ind lr, $3  }
0x3a: {  	_ = 	snop  }
0x3b: {  	_ = 	snop  }
0x3c: {  	p2 =	seq.s32 s10, $0x1;
	s10 =	sld [smem:$0x3FAD]  }
0x3d: {  	_ =	shalt  }
0x3e: {  	_ =	shalt  }
0x3f: {  	_ =	shalt  }
0x40: {  	_ =	shalt  }
0x41: {  	_ =	shalt  }
0x42: {  	_ =	shalt  }
0x43: {  	_ =	shalt  }
0x44: {  	_ =	shalt  }
0x45: {  	_ =	shalt  }
0x46: {  	_ =	shalt  }
0x47: {  	_ =	shalt  }
0x48: {  	_ =	shalt  }
0x49: {  	_ =	shalt  }
0x4a: {  	_ =	shalt  }
0x4b: {  	_ =	shalt  }
0x4c: {  	_ =	shalt  }
0x4d: {  	_ =	shalt  }
0x4e: {  	_ =	shalt  }
0x4f: {  	_ =	shalt  }
0x50: {  	_ =	shalt  }
0x51: {  	_ =	shalt  }
0x52: {  	_ =	shalt  }
0x53: {  	_ =	shalt  }
0x54: {  	_ =	shalt  }
0x55: {  	_ =	shalt  }
0x56: {  	_ =	shalt  }
0x57: {  	_ =	shalt  }
0x58: {  	_ =	shalt  }
0x59: {  	_ =	shalt  }
0x5a: {  	_ =	shalt  }
0x5b: {  	_ =	shalt  }
0x5c: {  	_ =	shalt  }
0x5d: {  	_ =	shalt  }
0x5e: {  	_ =	shalt  }
0x5f: {  	_ =	shalt  }
0x60: {  	_ =	shalt  }
0x61: {  	_ =	shalt  }
0x62: {  	_ =	shalt  }
0x63: {  	_ =	shalt  }
0x64: {  	_ =	shalt  }
0x65: {  	_ =	shalt  }
0x66: {  	_ =	shalt  }
0x67: {  	_ =	shalt  }
0x68: {  	_ =	shalt  }
0x69: {  	_ =	shalt  }
0x6a: {  	_ =	shalt  }
0x6b: {  	_ =	shalt  }
0x6c: {  	_ =	shalt  }
0x6d: {  	_ =	shalt  }
0x6e: {  	_ =	shalt  }
0x6f: {  	_ =	shalt  }
0x70: {  	_ =	shalt  }
0x71: {  	_ =	shalt  }
0x72: {  	_ =	shalt  }
0x73: {  	_ =	shalt  }
0x74: {  	_ =	shalt  }
0x75: {  	_ =	shalt  }
0x76: {  	_ =	shalt  }
0x77: {  	_ =	shalt  }
0x78: {  	_ =	shalt  }
0x79: {  	_ =	shalt  }
0x7a: {  	_ =	shalt  }
0x7b: {  	_ =	shalt  }
0x7c: {  	_ =	shalt  }
0x7d: {  	_ =	shalt  }
0x7e: {  	_ =	shalt  }
0x7f: {  	_ =	shalt  }
0x80: {  	_ =	shalt  }
0x81: {  	_ =	shalt  }
0x82: {  	_ =	shalt  }
0x83: {  	_ =	shalt  }
0x84: {  	_ =	shalt  }
0x85: {  	_ =	shalt  }
0x86: {  	_ =	shalt  }
0x87: {  	_ =	shalt  }
.Lfunc_end0:
.L_simem_size_0:
called_computation.3_lowered:
.L_overlay_start_0:
0x88: {  	s2 =	sld [smem:$0x3FD9]  }
0x89: {  	s3 =	sld [smem:$0x3FFE];
	_ =	sdelay $0x1  }
0x8a: {  	s1 =	srdreg.scid  }
0x8b: {  	s0 =	sand.u32 $0x1, s1  }
0x8c: {  	s17 =	sshll.u32 s0, $0xA;
	s2 =	sadd.s32 s3, s2  }
0x8d: {  	s2 =	sadd.s32 s2, s17  }
0x8e: {  	[smem:$0x3FB9] =	sst s2  }
0x8f: {  	_ = 	snop  }
0x90: {  	s2 =	sld [smem:$0x3FD0];
	(tm) =	ssettm $0x1  }
0x91: {  	s18 =	sld [smem:$0x3FFB];
	_ =	sdelay $0x3  }
0x92: {  	_ =	strace s18  }
0x93: {  	s3 =	sld [smem:$0x3FFC];
	_ =	sdelay $0x3  }
0x94: {  	_ =	strace s3  }
0x95: {  	s3 =	sld [smem:$0x3FFD];
	_ =	sdelay $0x3  }
0x96: {  	_ =	strace s3  }
0x97: {  	_ =	strace $0x8FFFFFFF  }
0x98: {  	s19 =	sld [smem:$0x3FDB];
	_ =	sdelay $0x1  }
0x99: {  	s4 =	simm.s32 $_scs_section_size  }
0x9a: {  	s5 =	simm.s32 $_size__tile_overlayer_lowered;
	s6 =	simm.s32 $_tile_overlayer_lowered  }
0x9b: {  	s22 =	simm.s32 $0x1BFF;
	s21 =	sshll.u32 s6, $0x1;
	s3 =	sadd.s32 s4, s19  }
0x9c: {  	s7 =	simm.s32 $0x0;
	s20 =	sshll.u32 s5, $0x1;
	s5 =	sadd.s32 s21, s3  }
0x9d: {  	[timem:s7], [sflag:s22] =	dma.local [hbm:s5], s20  }
0x9e: {  	_ =	swait.ge [sflag:s22], s20  }
0x9f: {  	s4 =	ssub.s32 $0x0, s20;
	[sflag:s22] =	ssyncset.done $0x0  }
0xa0: {  	[sflag:s22] =	ssyncadd.s32 s4;
	_ =	sdelay $0x1  }
0xa1: {  	s23 =	simm.s32 $0x1B8B  }
0xa2: {  	_ =	swait.ge [sflag:s23], $0x1  }
0xa3: {  	[sflag:s23] =	ssyncset.done $0x0  }
0xa4: {  	s25 =	simm.s32 $0x1B8E;
	s24 =	sld [smem:$0x3FFE];
	[sflag:s23] =	ssyncadd.s32 $0xFFFFFFFF  }
0xa5: {  	s26 =	simm.s32 $execute0_lowered;
	[smem:$0x3FD2] =	sst s25  }
0xa6: {  	s5 =	sshll.u32 s26, $0x1;
	_ =	strace $0x8000004F;
	[dreg:$0x1] =	wrdreg $0xFFFFFFFF  }
0xa7: {  	s28 =	simm.s32 $_size_execute0_lowered;
	s3 =	sadd.s32 s3, s5;
	[dreg:$0x0] =	wrdreg $0x0  }
0xa8: {  	s5 =	sshll.u32 s28, $0x1;
	[dreg:$0x2] =	wrdreg s3  }
0xa9: {  	[dreg:$0x3] =	wrdreg s5  }
0xaa: {  	[dreg:$0x4] =	wrdreg $0xC0  }
0xab: {  	_ =	task [dreg:s7], $0x5FFFF  }
0xac: {  	[dreg:$0x1] =	wrdreg $0xFFFFFFFF  }
0xad: {  	[dreg:$0x0] =	wrdreg $0x60  }
0xae: {  	[dreg:$0x2] =	wrdreg s2  }
0xaf: {  	[dreg:$0x3] =	wrdreg s24  }
0xb0: {  	[dreg:$0x4] =	wrdreg $0x91000  }
0xb1: {  	[dreg:$0x5] =	wrdreg $0x9  }
0xb2: {  	_ =	task.clear_ibuf [dreg:s7], $0x6FFFF;
	_ =	strace $0x9000004F  }
0xb3: {  	s29 =	simm.s32 $0x9;
	_ =	strace $0x80000051  }
0xb4: {  	_ =	swait.ge [sflag:s29], $0x1  }
0xb5: {  	[sflag:s29] =	ssyncadd.s32 $0xFFFFFFFF  }
0xb6: {  	_ =	strace $0x90000051  }
0xb7: {  	_ =	sfence  }
0xb8: {  	s30 =	sld [smem:$0x0];
	_ =	sdelay $0x2  }
0xb9: {  	s31 =	sshll.u32 s1, $0xD;
	s1 =	sshrl.u32 s1, $0x2  }
0xba: {  	s3 =	sand.u32 $0x4000, s31;
	s1 =	sadd.s32 s1, s30  }
0xbb: {  	s0 =	sor.u32 s3, s0;
	s1 =	sshll.u32 s1, $0x11  }
0xbc: {  	s0 =	sor.u32 s1, s0  }
0xbd: {  	s0 =	sadd.s32 $0x8F2B, s0  }
0xbe: {  	[sflag:s0] =	ssyncadd.remote.s32 $0x1  }
0xbf: {  	_ =	sfence.sel $0xFFFF  }
0xc0: {  	[dreg:$0x0] =	wrdreg $0xFFFFFFFF;
	(pc) =	sbr.abs _section_cstart, $3  }
0xc1: {  	[dreg:$0x1] =	wrdreg $0xFFFFFFFF  }
0xc2: {  	_ =	task.clear_ibuf [dreg:s7], $0x2FFFF;
	_ =	strace $0x9FFFFFFF  }
0xc3: {  	(tm) =	ssettm $0x7FFFFFFF  }
tec
execute0_lowered:
.L_overlay_start_1:
0x0: {  	(tag) =	ssettag $0x1  }
0x1: {  	s1 =	rddreg [dreg:$0x0]  }
0x2: {  	s2 =	srdreg.scid;
	s7 =	rddreg [dreg:$0x1]  }
0x3: {  	s0 =	stileid.u32;
	s3 =	rddreg [dreg:$0x2];
	s4 =	simm.s32 $0x0  }
0x4: {  	s17 =	simm.s32 $0x50;
	s18 =	simm.s32 $0x4100;
	s19 =	simm.s32 $0x4080  }
0x5: {  	s20 =	simm.s32 $0x80;
	s21 =	simm.s32 $0x6900;
	s22 =	simm.s32 $0x1  }
0x6: {  	s23 =	simm.s32 $0x3;
	s24 =	simm.s32 $0x2;
	s25 =	simm.s32 $0x4  }
0x7: {  	s26 =	simm.s32 $0x0;
	s8 =	sand.u32 $0x1, s2;
	s2 =	rddreg [dreg:$0x3]  }
0x8: {  	s5 =	sshll.u32 s0, $0xF;
	[smem:$0x7FF] =	sst s4;
	s10 =	smul.u32 $0x13C00, s0  }
0x9: {  	s14 =	smul.u32 $0x4F000, s0;
	s31 =	sshll.u32 s0, $0x6;
	s6 =	sshll.u32 s8, $0xE  }
0xa: {  	_ =	strace $0x80000050;
	s12 =	smul.u32 $0x13C000, s8;
	s8 =	ssub.s32 $0x2, s8  }
0xb: {  	s5 =	sor.u32 s6, s5;
	s6 =	sadd.s32 $0x3800, s7;
	s13 =	sshrl.u32 s10, $0x3  }
0xc: {  	s30 =	sshrl.u32 s8, $0x1;
	s14 =	sshrl.u32 s14, $0x2;
	s9 =	sshrl.u32 s5, $0x3  }
0xd: {  	s13 =	sadd.s32 s13, s7;
	s10 =	sadd.s32 s10, s12;
	s16 =	ssub.s32 s8, s30  }
.Ltmp0:
0xe: {  	s14 =	sadd.s32 s14, s3;
	s11 =	sadd.s32 s9, s7;
	(pc) =	sbr.rel .LBB2_1-.Ltmp0, $4  }
0xf: {  	s10 =	sshrl.u32 s10, $0x3;
	s8 =	sadd.s32 s6, s9;
	s9 =	sor.u32 $0x1C05, s31  }
0x10: {  	s14 =	sshrl.u32 s14, $0x3;
	s15 =	sadd.s32 s10, s7;
	s7 =	sadd.s32 $0x13800, s13  }
0x11: {  	s10 =	sadd.s32 $0x8A000, s11;
	s11 =	sadd.s32 $0x10, s8;
	s13 =	smax.u32 s16, $0x1  }
0x12: {  	s16 =	simm.s32 $0x4000;
	s12 =	sadd.s32 $0x9A000, s15;
	s15 =	simm.s32 $0x5  }
.LBB2_4:
0x13: {  	_ =	swait.ge [sflag:s22], $0x2800  }
0x14: {  	[sflag:s22] =	ssyncset.done $0x0  }
0x15: {  	[sflag:s22] =	ssyncadd.s32 $0xFFFFD800  }
0x16: {  	_ =	swait.ge [sflag:s23], $0x80  }
0x17: {  	[sflag:s23] =	ssyncset.done $0x0  }
0x18: {  	[sflag:s23] =	ssyncadd.s32 $0xFFFFFF80  }
0x19: {  	[spmem:s3] =	stream.indirect.scatter.add.f32 [tilespmem:s18], [sflag:$0x5], $0x80, s16, s17, $0xb8;
	[tilespmem:$0x1CD00] =	vst v63  }
0x1a: {  	_ =	swait.ge [sflag:s15], $0x2800  }
0x1b: {  	s26 =	sadd.s32 $0x1, s26;
	[sflag:s15] =	ssyncset.done $0x0  }
0x1c: {  	p0 =	sne.s32 s26, s13;
	[sflag:s15] =	ssyncadd.s32 $0xFFFFD800  }
.Ltmp1:
0x1d: {  	[bflag:$0x0] =	sbarrier.arrive $0xFFFF;
	(pc) =	sbr.rel @!p0 .LBB2_5-.Ltmp1, $4  }
0x1e: {  	[hbm:s12], [sflag:s9] =	dma.local [spmem:s14], $0x2780  }
0x1f: {  	_ =	swait.ge [sflag:s15], $0x2780  }
0x20: {  	[sflag:s15] =	ssyncset.done $0x0  }
0x21: {  	[sflag:s15] =	ssyncadd.s32 $0xFFFFD880  }
.LBB2_1:
0x22: {  	[spmem:s14], [sflag:s9] =	dma.local [hbm:s7], $0x2780  }
0x23: {  	_ =	swait.ge [sflag:s15], $0x2780  }
0x24: {  	[sflag:s15] =	ssyncset.done $0x0  }
0x25: {  	[sflag:s15] =	ssyncadd.s32 $0xFFFFD880  }
0x26: {  	[tilespmem:s4], [sflag:$0x5] =	stream.linear.gather [hbm4b:s10+s4], $0x3E80, $0x38;
	[tilespmem:$0x1CD00] =	vst v63  }
0x27: {  	_ =	swait.ge [sflag:s15], $0x3E80  }
0x28: {  	[sflag:s15] =	ssyncset.done $0x0  }
0x29: {  	[sflag:s15] =	ssyncadd.s32 $0xFFFFC180  }
0x2a: {  	[bflag:$0x0] =	sbarrier.arrive $0xFFFF  }
0x2b: {  	[tilespmem:s16], [sflag:$0x3] =	stream.linear.gather [hbm4b:s8+s4], $0x80, $0x38;
	[tilespmem:$0x1CD00] =	vst v63  }
0x2c: {  	_ = 	snop  }
0x2d: {  	[tilespmem:s18], [sflag:$0x1] =	stream.indirect.gather [hbm4b:s1+s17], $0x80, s4, s17, $0xb8;
	[tilespmem:$0x1CD00] =	vst v63  }
0x2e: {  	_ = 	snop  }
0x2f: {  	[tilespmem:s19], [sflag:$0x4] =	stream.linear.gather [hbm4b:s11+s4], $0x80, $0x38;
	[tilespmem:$0x1CD00] =	vst v63  }
0x30: {  	s28 =	simm.s32 $0x180;
	s29 =	simm.s32 $0x100  }
0x31: {  	[tilespmem:s21], [sflag:$0x2] =	stream.indirect.gather [hbm4b:s1+s17], $0x80, s20, s17, $0xb8;
	[tilespmem:$0x1CD00] =	vst v63  }
.LBB2_2:
0x32: {  	_ =	swait.ge [sflag:s22], $0x2800  }
0x33: {  	[sflag:s22] =	ssyncset.done $0x0  }
0x34: {  	[sflag:s22] =	ssyncadd.s32 $0xFFFFD800  }
0x35: {  	s30 =	sadd.s32 $0xFFFFFF80, s28;
	_ =	swait.ge [sflag:s23], $0x80  }
0x36: {  	s31 =	sand.u32 $0x7C00, s30;
	[sflag:s23] =	ssyncset.done $0x0  }
0x37: {  	s30 =	sand.u32 $0x300, s30;
	s31 =	sadd.s32 s5, s31;
	[sflag:s23] =	ssyncadd.s32 $0xFFFFFF80  }
0x38: {  	[spmem:s3] =	stream.indirect.scatter.add.f32 [tilespmem:s18], [sflag:$0x5], $0x80, s16, s17, $0xb8;
	[tilespmem:$0x1CD00] =	vst v63  }
0x39: {  	s30 =	sor.u32 s30, s31;
	_ =	swait.ge [sflag:s15], $0x2800  }
0x3a: {  	s30 =	sshrl.u32 s30, $0x3;
	[sflag:s15] =	ssyncset.done $0x0  }
0x3b: {  	s30 =	sadd.s32 s6, s30;
	[sflag:s15] =	ssyncadd.s32 $0xFFFFD800  }
0x3c: {  	[tilespmem:s16], [sflag:$0x3] =	stream.linear.gather [hbm4b:s30+s4], $0x80, $0x38;
	[tilespmem:$0x1CD00] =	vst v63  }
0x3d: {  	_ = 	snop  }
0x3e: {  	[tilespmem:s18], [sflag:$0x1] =	stream.indirect.gather [hbm4b:s1+s17], $0x80, s29, s17, $0xb8;
	[tilespmem:$0x1CD00] =	vst v63  }
0x3f: {  	_ =	swait.ge [sflag:s24], $0x2800  }
0x40: {  	[sflag:s24] =	ssyncset.done $0x0  }
0x41: {  	[sflag:s24] =	ssyncadd.s32 $0xFFFFD800  }
0x42: {  	_ =	swait.ge [sflag:s25], $0x80  }
0x43: {  	p0 =	seq.s32 s28, $0x3E80;
	[sflag:s25] =	ssyncset.done $0x0  }
.Ltmp2:
0x44: {  	[sflag:s25] =	ssyncadd.s32 $0xFFFFFF80;
	(pc) =	sbr.rel @p0 .LBB2_4-.Ltmp2, $4  }
0x45: {  	[spmem:s3] =	stream.indirect.scatter.add.f32 [tilespmem:s21], [sflag:$0x5], $0x80, s19, s17, $0xb8;
	[tilespmem:$0x1CD00] =	vst v63  }
0x46: {  	_ =	swait.ge [sflag:s15], $0x2800  }
0x47: {  	[sflag:s15] =	ssyncset.done $0x0  }
0x48: {  	[sflag:s15] =	ssyncadd.s32 $0xFFFFD800  }
0x49: {  	s30 =	sand.u32 $0x7C00, s28  }
0x4a: {  	s31 =	sand.u32 $0x380, s28;
	s30 =	sadd.s32 s5, s30  }
0x4b: {  	s30 =	sor.u32 s31, s30  }
.Ltmp3:
0x4c: {  	s30 =	sshrl.u32 s30, $0x3;
	(pc) =	sbr.rel .LBB2_2-.Ltmp3, $4  }
0x4d: {  	s30 =	sadd.s32 s6, s30  }
0x4e: {  	[tilespmem:s19], [sflag:$0x4] =	stream.linear.gather [hbm4b:s30+s4], $0x80, $0x38;
	[tilespmem:$0x1CD00] =	vst v63  }
0x4f: {  	s28 =	sadd.s32 $0x100, s28;
	s31 =	sadd.s32 $0x80, s29;
	s29 =	sadd.s32 $0x100, s29  }
0x50: {  	[tilespmem:s21], [sflag:$0x2] =	stream.indirect.gather [hbm4b:s1+s17], $0x80, s31, s17, $0xb8;
	[tilespmem:$0x1CD00] =	vst v63  }
.LBB2_5:
0x51: {  	_ =	sfence.sel $0x180000  }
0x52: {  	[bflag:$0x0] =	sbarrier.arrive $0xFFFF  }
0x53: {  	p0 =	sne.s32 s0, $0x0;
	_ =	strace $0x90000050  }
0x54: {  	s0 =	sadd.s32 @!p0 $0x100000, s2;
	[bflag:$0x2] =	sbarrier.arrive $0xFFFF  }
0x55: {  	[sflag:s0] =	ssyncadd.tile.s32 @!p0 $0x1;
	_ =	shalt  }
.Lfunc_end2:
_tile_overlayer_lowered:
.L_overlay_start_2:
0x56: {  	(tag) =	ssettag $0x2  }
0x57: {  	s0 =	rddreg [dreg:$0x0];
	s2 =	stileid.u32  }
0x58: {  	s1 =	rddreg [dreg:$0x1];
	p0 =	sne.s32 s2, $0x0  }
0x59: {  	s3 =	rddreg [dreg:$0x2];
	[bflag:$0x3] =	sbarrier.arrive $0xFFFF;
	s2 =	simm.s32 @!p0 $0x1C05  }
0x5a: {  	[timem:s3], [sflag:s2] =	dma.local @!p0 [hbm:s0], s1  }
0x5b: {  	s0 =	simm.s32 @!p0 $0x5  }
0x5c: {  	_ =	swait.ge @!p0 [sflag:s0], s1  }
0x5d: {  	s1 =	ssub.s32 @!p0 $0x0, s1;
	[sflag:s0] =	ssyncset.done @!p0 $0x0  }
0x5e: {  	[sflag:s0] =	ssyncadd.s32 @!p0 s1  }
0x5f: {  	[bflag:$0x3] =	sbarrier.arrive $0xFFFF  }
0x60: {  	_ =	shalt  }

// kernel: kernel.9.cloned.1.call-start
scs
__scs_entry_jumppad:
0x0: {  	(pc) =	sbr.rel $0x88, $3  }
0x1: {  	(tag) =	ssettag $0x0;
	lr =	simm.s32 $0x1  }
0x2: {  	[smem:$0x3F92] =	sst lr;
	_ =	strace $0xD0000000  }
0x3: {  	_ = 	snop  }
0x4: {  	_ = 	snop  }
0x5: {  	_ = 	snop  }
0x6: {  	_ = 	snop  }
0x7: {  	_ = 	snop  }
__scs_overlays_trampoline_lowered:
0x8: {  	[smem:$0x3FA1] =	sst s0  }
0x9: {  	[smem:$0x3FA2] =	sst s1  }
0xa: {  	[smem:$0x3FA3] =	sst s2  }
0xb: {  	[smem:$0x3FA4] =	sst s3  }
0xc: {  	[smem:$0x3FA5] =	sst s4  }
0xd: {  	[smem:$0x3FA6] =	sst s5  }
0xe: {  	[smem:$0x3FA7] =	sst s6  }
0xf: {  	[smem:$0x3FA8] =	sst s7  }
0x10: {  	[smem:$0x3FA9] =	sst s8  }
0x11: {  	[smem:$0x3FAA] =	sst s9;
	s0 =	simm.s32 @!p0 $0x0  }
0x12: {  	s1 =	sld [smem:$0x3F90];
	s0 =	simm.s32 @p0 $0x1  }
0x13: {  	[smem:$0x3FAB] =	sst s0;
	s0 =	simm.s32 @!p1 $0x0  }
0x14: {  	s2 =	sld [smem:$0x3F8F];
	s0 =	simm.s32 @p1 $0x1  }
0x15: {  	[smem:$0x3FAC] =	sst s0;
	s0 =	simm.s32 @!p2 $0x0  }
0x16: {  	s3 =	sld [smem:$0x3FDB];
	s0 =	simm.s32 @p2 $0x1  }
0x17: {  	s4 =	simm.s32 $0x1BF5;
	[smem:$0x3FAE] =	sst s0  }
0x18: {  	s0 =	sld [smem:$0x3F91];
	_ =	swait.ge [sflag:s4], $0x0  }
0x19: {  	s7 =	sld [smem:$0x3F92]  }
0x1a: {  	s8 =	sadd.s32 $0xFFFFE003, lr  }
0x1b: {  	s9 =	sadd.s32 $0xFFFFFEF7, lr;
	s5 =	simm.s32 $0xFFFFFFFF;
	p2 =	slt.u32 s8, $0xFFFFF086  }
0x1c: {  	p1 =	slt.u32 s9, $0xF7A;
	s5 =	simm.s32 @!p2 $0x0  }
0x1d: {  	s5 =	simm.s32 @p1 $0x1;
	p0 =	seq.s32 s7, s2  }
0x1e: {  	s7 =	smul.u32 @!p0 $0xF7A, s2;
	p2 =	seq.s32 @!p0 s5, $0x0  }
0x1f: {  	s9 =	smul.u32 $0xF7A, s1;
	s8 =	simm.s32 @!p0 $0x1BF5;
	p2 =	por !p2, p0  }
0x20: {  	[sflag:s8] =	ssyncset.s32 @!p0 $0xFFFFF086;
	s6 =	sadd.s32 @!p0 s3, s7;
	s7 =	simm.s32 @!p0 $0x108  }
0x21: {  	s3 =	sadd.s32 s3, s9;
	s6 =	sadd.s32 @!p0 $0x88, s6;
	s7 =	simm.s32 @p2 $0x1082  }
0x22: {  	[simem:s7], [sflag:s8] =	dma.local @!p0 [hbm:s6], $0xF7A  }
0x23: {  	s9 =	sor.u32 $0xD0000000, s2;
	s6 =	simm.s32 $0x108;
	_ =	swait.ge @!p0 [sflag:s8], $0x0  }
0x24: {  	s3 =	sadd.s32 $0x88, s3;
	s6 =	simm.s32 @!p1 $0x1082;
	[sflag:s4] =	ssyncset.s32 $0xFFFFF086  }
0x25: {  	[simem:s6], [sflag:s4] =	dma.local [hbm:s3], $0xF7A  }
0x26: {  	[smem:$0x3F92] =	sst s1;
	(tag) =	ssettag s2;
	_ =	strace s9  }
0x27: {  	s1 =	sld [smem:$0x3FA2]  }
0x28: {  	s2 =	sld [smem:$0x3FA3]  }
0x29: {  	s4 =	sld [smem:$0x3FA5]  }
0x2a: {  	p0 =	seq.s32 s5, $0x0;
	s5 =	sld [smem:$0x3FA6]  }
0x2b: {  	s6 =	sld [smem:$0x3FA7]  }
0x2c: {  	s7 =	sld [smem:$0x3FA8]  }
0x2d: {  	s3 =	simm.s32 $0x108;
	s8 =	sld [smem:$0x3FA9]  }
0x2e: {  	s3 =	simm.s32 @!p0 $0x1082;
	s9 =	sld [smem:$0x3FAA]  }
0x2f: {  	lr =	sadd.s32 s0, s3;
	s0 =	sld [smem:$0x3FA1]  }
0x30: {  	s3 =	sld [smem:$0x3FA4]  }
0x31: {  	[smem:$0x3FAD] =	sst s10  }
0x32: {  	s10 =	sld [smem:$0x3FAB];
	_ =	sdelay $0x3  }
0x33: {  	p0 =	seq.s32 s10, $0x1;
	s10 =	sld [smem:$0x3FAD];
	_ =	sdelay $0x3  }
0x34: {  	[smem:$0x3FAD] =	sst s10  }
0x35: {  	s10 =	sld [smem:$0x3FAC];
	_ =	sdelay $0x3  }
0x36: {  	p1 =	seq.s32 s10, $0x1;
	s10 =	sld [smem:$0x3FAD];
	_ =	sdelay $0x3  }
0x37: {  	[smem:$0x3FAD] =	sst s10  }
0x38: {  	s10 =	sld [smem:$0x3FAE]  }
0x39: {  	_ = 	snop;
	(pc) =	sbr.ind lr, $3  }
0x3a: {  	_ = 	snop  }
0x3b: {  	_ = 	snop  }
0x3c: {  	p2 =	seq.s32 s10, $0x1;
	s10 =	sld [smem:$0x3FAD]  }
0x3d: {  	_ =	shalt  }
0x3e: {  	_ =	shalt  }
0x3f: {  	_ =	shalt  }
0x40: {  	_ =	shalt  }
0x41: {  	_ =	shalt  }
0x42: {  	_ =	shalt  }
0x43: {  	_ =	shalt  }
0x44: {  	_ =	shalt  }
0x45: {  	_ =	shalt  }
0x46: {  	_ =	shalt  }
0x47: {  	_ =	shalt  }
0x48: {  	_ =	shalt  }
0x49: {  	_ =	shalt  }
0x4a: {  	_ =	shalt  }
0x4b: {  	_ =	shalt  }
0x4c: {  	_ =	shalt  }
0x4d: {  	_ =	shalt  }
0x4e: {  	_ =	shalt  }
0x4f: {  	_ =	shalt  }
0x50: {  	_ =	shalt  }
0x51: {  	_ =	shalt  }
0x52: {  	_ =	shalt  }
0x53: {  	_ =	shalt  }
0x54: {  	_ =	shalt  }
0x55: {  	_ =	shalt  }
0x56: {  	_ =	shalt  }
0x57: {  	_ =	shalt  }
0x58: {  	_ =	shalt  }
0x59: {  	_ =	shalt  }
0x5a: {  	_ =	shalt  }
0x5b: {  	_ =	shalt  }
0x5c: {  	_ =	shalt  }
0x5d: {  	_ =	shalt  }
0x5e: {  	_ =	shalt  }
0x5f: {  	_ =	shalt  }
0x60: {  	_ =	shalt  }
0x61: {  	_ =	shalt  }
0x62: {  	_ =	shalt  }
0x63: {  	_ =	shalt  }
0x64: {  	_ =	shalt  }
0x65: {  	_ =	shalt  }
0x66: {  	_ =	shalt  }
0x67: {  	_ =	shalt  }
0x68: {  	_ =	shalt  }
0x69: {  	_ =	shalt  }
0x6a: {  	_ =	shalt  }
0x6b: {  	_ =	shalt  }
0x6c: {  	_ =	shalt  }
0x6d: {  	_ =	shalt  }
0x6e: {  	_ =	shalt  }
0x6f: {  	_ =	shalt  }
0x70: {  	_ =	shalt  }
0x71: {  	_ =	shalt  }
0x72: {  	_ =	shalt  }
0x73: {  	_ =	shalt  }
0x74: {  	_ =	shalt  }
0x75: {  	_ =	shalt  }
0x76: {  	_ =	shalt  }
0x77: {  	_ =	shalt  }
0x78: {  	_ =	shalt  }
0x79: {  	_ =	shalt  }
0x7a: {  	_ =	shalt  }
0x7b: {  	_ =	shalt  }
0x7c: {  	_ =	shalt  }
0x7d: {  	_ =	shalt  }
0x7e: {  	_ =	shalt  }
0x7f: {  	_ =	shalt  }
0x80: {  	_ =	shalt  }
0x81: {  	_ =	shalt  }
0x82: {  	_ =	shalt  }
0x83: {  	_ =	shalt  }
0x84: {  	_ =	shalt  }
0x85: {  	_ =	shalt  }
0x86: {  	_ =	shalt  }
0x87: {  	_ =	shalt  }
.Lfunc_end0:
.L_simem_size_0:
called_computation_lowered:
.L_overlay_start_0:
0x88: {  	s2 =	sld [smem:$0x3FD9]  }
0x89: {  	s3 =	sld [smem:$0x3FFE];
	_ =	sdelay $0x1  }
0x8a: {  	s1 =	srdreg.scid  }
0x8b: {  	s0 =	sand.u32 $0x1, s1  }
0x8c: {  	s17 =	sshll.u32 s0, $0xA;
	s2 =	sadd.s32 s3, s2  }
0x8d: {  	s2 =	sadd.s32 s2, s17  }
0x8e: {  	[smem:$0x3FB9] =	sst s2  }
0x8f: {  	_ = 	snop  }
0x90: {  	s2 =	sld [smem:$0x3FD0];
	(tm) =	ssettm $0x1  }
0x91: {  	s18 =	sld [smem:$0x3FFB];
	_ =	sdelay $0x3  }
0x92: {  	_ =	strace s18  }
0x93: {  	s3 =	sld [smem:$0x3FFC];
	_ =	sdelay $0x3  }
0x94: {  	_ =	strace s3  }
0x95: {  	s3 =	sld [smem:$0x3FFD];
	_ =	sdelay $0x3  }
0x96: {  	_ =	strace s3  }
0x97: {  	_ =	strace $0x8FFFFFFF  }
0x98: {  	s19 =	sld [smem:$0x3FDB];
	_ =	sdelay $0x1  }
0x99: {  	s4 =	simm.s32 $_scs_section_size  }
0x9a: {  	s5 =	simm.s32 $_size__tile_overlayer_lowered;
	s6 =	simm.s32 $_tile_overlayer_lowered  }
0x9b: {  	s22 =	simm.s32 $0x1BFF;
	s21 =	sshll.u32 s6, $0x1;
	s3 =	sadd.s32 s4, s19  }
0x9c: {  	s7 =	simm.s32 $0x0;
	s20 =	sshll.u32 s5, $0x1;
	s5 =	sadd.s32 s21, s3  }
0x9d: {  	[timem:s7], [sflag:s22] =	dma.local [hbm:s5], s20  }
0x9e: {  	_ =	swait.ge [sflag:s22], s20  }
0x9f: {  	s4 =	ssub.s32 $0x0, s20;
	[sflag:s22] =	ssyncset.done $0x0  }
0xa0: {  	[sflag:s22] =	ssyncadd.s32 s4;
	_ =	sdelay $0x1  }
0xa1: {  	s23 =	simm.s32 $0x1B8B  }
0xa2: {  	_ =	swait.ge [sflag:s23], $0x1  }
0xa3: {  	[sflag:s23] =	ssyncset.done $0x0  }
0xa4: {  	s25 =	simm.s32 $0x1B8E;
	s24 =	sld [smem:$0x3FFE];
	[sflag:s23] =	ssyncadd.s32 $0xFFFFFFFF  }
0xa5: {  	s26 =	simm.s32 $execute0_lowered;
	[smem:$0x3FD2] =	sst s25  }
0xa6: {  	s5 =	sshll.u32 s26, $0x1;
	_ =	strace $0x80000046;
	[dreg:$0x1] =	wrdreg $0xFFFFFFFF  }
0xa7: {  	s28 =	simm.s32 $_size_execute0_lowered;
	s3 =	sadd.s32 s3, s5;
	[dreg:$0x0] =	wrdreg $0x0  }
0xa8: {  	s5 =	sshll.u32 s28, $0x1;
	[dreg:$0x2] =	wrdreg s3  }
0xa9: {  	[dreg:$0x3] =	wrdreg s5  }
0xaa: {  	[dreg:$0x4] =	wrdreg $0xC0  }
0xab: {  	_ =	task [dreg:s7], $0x5FFFF  }
0xac: {  	[dreg:$0x1] =	wrdreg $0xFFFFFFFF  }
0xad: {  	[dreg:$0x0] =	wrdreg $0x60  }
0xae: {  	[dreg:$0x2] =	wrdreg s24  }
0xaf: {  	[dreg:$0x3] =	wrdreg s2  }
0xb0: {  	[dreg:$0x4] =	wrdreg $0x68000  }
0xb1: {  	[dreg:$0x5] =	wrdreg $0x9  }
0xb2: {  	_ =	task.clear_ibuf [dreg:s7], $0x6FFFF;
	_ =	strace $0x90000046  }
0xb3: {  	s29 =	simm.s32 $0x9;
	_ =	strace $0x80000048  }
0xb4: {  	_ =	swait.ge [sflag:s29], $0x1  }
0xb5: {  	[sflag:s29] =	ssyncadd.s32 $0xFFFFFFFF  }
0xb6: {  	_ =	strace $0x90000048  }
0xb7: {  	_ =	sfence  }
0xb8: {  	s30 =	sld [smem:$0x0];
	_ =	sdelay $0x2  }
0xb9: {  	s31 =	sshll.u32 s1, $0xD;
	s1 =	sshrl.u32 s1, $0x2  }
0xba: {  	s3 =	sand.u32 $0x4000, s31;
	s1 =	sadd.s32 s1, s30  }
0xbb: {  	s0 =	sor.u32 s3, s0;
	s1 =	sshll.u32 s1, $0x11  }
0xbc: {  	s0 =	sor.u32 s1, s0  }
0xbd: {  	s0 =	sadd.s32 $0x8F2B, s0  }
0xbe: {  	[sflag:s0] =	ssyncadd.remote.s32 $0x1  }
0xbf: {  	_ =	sfence.sel $0xFFFF  }
0xc0: {  	[dreg:$0x0] =	wrdreg $0xFFFFFFFF;
	(pc) =	sbr.abs _section_cstart, $3  }
0xc1: {  	[dreg:$0x1] =	wrdreg $0xFFFFFFFF  }
0xc2: {  	_ =	task.clear_ibuf [dreg:s7], $0x2FFFF;
	_ =	strace $0x9FFFFFFF  }
0xc3: {  	(tm) =	ssettm $0x7FFFFFFF  }
tec
execute0_lowered:
.L_overlay_start_1:
0x0: {  	(tag) =	ssettag $0x1  }
0x1: {  	s5 =	rddreg [dreg:$0x0]  }
0x2: {  	s2 =	rddreg [dreg:$0x1]  }
0x3: {  	s3 =	rddreg [dreg:$0x2]  }
0x4: {  	s0 =	rddreg [dreg:$0x3];
	s6 =	srdreg.scid  }
0x5: {  	s1 =	stileid.u32;
	s4 =	simm.s32 $0x0;
	s13 =	simm.s32 $0x50  }
0x6: {  	s14 =	simm.s32 $0x0;
	s6 =	sand.u32 $0x1, s6;
	s7 =	smul.u32 $0x13C00, s1  }
0x7: {  	[smem:$0x7FF] =	sst s4;
	s25 =	smul.u32 $0x4F000, s1;
	s30 =	sshll.u32 s1, $0xC  }
0x8: {  	s31 =	sshll.u32 s1, $0x6;
	s8 =	sshll.u32 s6, $0xB;
	s9 =	smul.u32 $0x13C000, s6  }
0x9: {  	_ =	strace $0x80000047;
	s6 =	ssub.s32 $0x2, s6;
	s8 =	sadd.s32 s8, s5  }
0xa: {  	s10 =	sshrl.u32 s7, $0x3;
	s26 =	sshrl.u32 s6, $0x1;
	s28 =	sshrl.u32 s25, $0x2  }
0xb: {  	s7 =	sadd.s32 s7, s9;
	s10 =	sadd.s32 s10, s5;
	s29 =	ssub.s32 s6, s26  }
0xc: {  	s12 =	sadd.s32 s28, s3;
	s8 =	sadd.s32 s30, s8;
	s7 =	sshrl.u32 s7, $0x3  }
0xd: {  	s6 =	sor.u32 $0x1C01, s31;
	s9 =	smax.u32 s29, $0x1;
	s11 =	sadd.s32 s7, s5  }
0xe: {  	s5 =	sadd.s32 $0x13800, s10;
	s7 =	sadd.s32 $0x3800, s8;
	s10 =	sshrl.u32 s12, $0x3  }
0xf: {  	s12 =	simm.s32 $0x4000;
	s8 =	sadd.s32 $0x3B000, s11;
	s11 =	simm.s32 $0x1  }
.LBB2_1:
0x10: {  	[spmem:s10], [sflag:s6] =	dma.local [hbm:s5], $0x2780  }
0x11: {  	_ =	swait.ge [sflag:s11], $0x2780  }
0x12: {  	[sflag:s11] =	ssyncset.done $0x0  }
0x13: {  	[sflag:s11] =	ssyncadd.s32 $0xFFFFD880  }
0x14: {  	[tilespmem:s4], [sflag:$0x1] =	stream.linear.gather [hbm4b:s7+s4], $0x3E80, $0x38;
	[tilespmem:$0x1A400] =	vst v63  }
0x15: {  	_ =	swait.ge [sflag:s11], $0x3E80  }
0x16: {  	[sflag:s11] =	ssyncset.done $0x0  }
0x17: {  	[sflag:s11] =	ssyncadd.s32 $0xFFFFC180  }
0x18: {  	[tilespmem:s12], [sflag:$0x1] =	stream.linear.gather [hbm4b:s2+s4], $0x2800, $0x38;
	[tilespmem:$0x1A400] =	vst v63  }
0x19: {  	_ =	swait.ge [sflag:s11], $0x2800  }
0x1a: {  	[sflag:s11] =	ssyncset.done $0x0  }
0x1b: {  	[sflag:s11] =	ssyncadd.s32 $0xFFFFD800  }
0x1c: {  	s15 =	simm.s32 $0x0;
	[bflag:$0x0] =	sbarrier.arrive $0xFFFF  }
0x1d: {  	[spmem:s3] =	stream.indirect.scatter.add.f32 [tilespmem:s12], [sflag:$0x1], $0x80, s15, s13, $0xb8;
	[tilespmem:$0x1A400] =	vst v63  }
0x1e: {  	_ =	swait.ge [sflag:s11], $0x2800  }
0x1f: {  	s15 =	simm.s32 $0x200;
	[sflag:s11] =	ssyncset.done $0x0  }
.LBB2_2:
0x20: {  	s16 =	sshra.s32 s15, $0x2;
	[sflag:s11] =	ssyncadd.s32 $0xFFFFD800;
	p0 =	sne.s32 s15, $0xF800  }
0x21: {  	[spmem:s3] =	stream.indirect.scatter.add.f32 [tilespmem:s12], [sflag:$0x1], $0x80, s16, s13, $0xb8;
	[tilespmem:$0x1A400] =	vst v63  }
.Ltmp0:
0x22: {  	_ = 	snop;
	(pc) =	sbr.rel @p0 .LBB2_2-.Ltmp0, $4  }
0x23: {  	_ = 	snop  }
0x24: {  	s15 =	sadd.s32 $0x200, s15  }
0x25: {  	_ =	swait.ge [sflag:s11], $0x2800  }
0x26: {  	[sflag:s11] =	ssyncset.done $0x0  }
0x27: {  	s14 =	sadd.s32 $0x1, s14  }
0x28: {  	[sflag:s11] =	ssyncadd.s32 $0xFFFFD800;
	p0 =	sne.s32 s14, s9  }
.Ltmp1:
0x29: {  	[bflag:$0x0] =	sbarrier.arrive $0xFFFF;
	(pc) =	sbr.rel @p0 .LBB2_1-.Ltmp1, $4  }
0x2a: {  	[hbm:s8], [sflag:s6] =	dma.local [spmem:s10], $0x2780  }
0x2b: {  	_ =	swait.ge [sflag:s11], $0x2780  }
0x2c: {  	[sflag:s11] =	ssyncset.done $0x0  }
0x2d: {  	[sflag:s11] =	ssyncadd.s32 $0xFFFFD880  }
0x2e: {  	_ =	sfence.sel $0x180000  }
0x2f: {  	[bflag:$0x0] =	sbarrier.arrive $0xFFFF  }
0x30: {  	p0 =	sne.s32 s1, $0x0;
	_ =	strace $0x90000047  }
0x31: {  	s0 =	sadd.s32 @!p0 $0x100000, s0;
	[bflag:$0x2] =	sbarrier.arrive $0xFFFF  }
0x32: {  	[sflag:s0] =	ssyncadd.tile.s32 @!p0 $0x1;
	_ =	shalt  }
.Lfunc_end2:
_tile_overlayer_lowered:
.L_overlay_start_2:
0x33: {  	(tag) =	ssettag $0x2  }
0x34: {  	s0 =	rddreg [dreg:$0x0];
	s2 =	stileid.u32  }
0x35: {  	s1 =	rddreg [dreg:$0x1];
	p0 =	sne.s32 s2, $0x0  }
0x36: {  	s3 =	rddreg [dreg:$0x2];
	[bflag:$0x3] =	sbarrier.arrive $0xFFFF;
	s2 =	simm.s32 @!p0 $0x1C01  }
0x37: {  	[timem:s3], [sflag:s2] =	dma.local @!p0 [hbm:s0], s1  }
0x38: {  	s0 =	simm.s32 @!p0 $0x1  }
0x39: {  	_ =	swait.ge @!p0 [sflag:s0], s1  }
0x3a: {  	s1 =	ssub.s32 @!p0 $0x0, s1;
	[sflag:s0] =	ssyncset.done @!p0 $0x0  }
0x3b: {  	[sflag:s0] =	ssyncadd.s32 @!p0 s1  }
0x3c: {  	[bflag:$0x3] =	sbarrier.arrive $0xFFFF  }
0x3d: {  	_ =	shalt  }

</sc_bundles>
